<compile_context>
chip_gen: v7x
topology: tpu7x:2x2x1
jax: 0.10.2.dev20260603
libtpu: 0.0.44.dev20260713+nightly
codegen_flags: <defaults>
</compile_context>

<pallas_src>
import functools

import jax
import jax.numpy as jnp
from jax import lax
from jax.experimental import pallas as pl
from jax.experimental.pallas import tpu as pltpu
from jax.experimental.pallas import tpu_sc as plsc

D = 64
N = 819200
W = 128
NW = 32
PW = N // NW
TS = PW // W
SCALE = 8.0


def _sc_gather(lut, xin):
    mesh = plsc.VectorSubcoreMesh(core_axis_name="c", subcore_axis_name="s")

    @functools.partial(
        pl.kernel,
        out_type=jax.ShapeDtypeStruct((N, D), jnp.float32),
        mesh=mesh,
        scratch_types=[
            pltpu.VMEM((PW,), jnp.int32),
            pltpu.VMEM((2, W, D), jnp.float32),
            pltpu.VMEM((2, W, D), jnp.float32),
            pltpu.SemaphoreType.DMA,
            pltpu.SemaphoreType.DMA,
            pltpu.SemaphoreType.DMA,
            pltpu.SemaphoreType.DMA,
            pltpu.SemaphoreType.DMA,
        ],
        compiler_params=pltpu.CompilerParams(use_tc_tiling_on_sc=False),
    )
    def k(lut_hbm, x_hbm, out_hbm, idx_all, g, tr, gs0, gs1, ws0, ws1, isem):
        w = lax.axis_index("s") * 2 + lax.axis_index("c")
        base = w * PW
        gsem = (gs0, gs1)
        wsem = (ws0, ws1)

        pltpu.async_copy(x_hbm.at[0, pl.ds(base, PW)], idx_all, isem).wait()

        def start_gather(step, q):
            pltpu.make_async_copy(
                lut_hbm.at[idx_all.at[pl.ds(step * W, W)]], g.at[q],
                gsem[q]).start()

        def wait_gather(step, q):
            pltpu.make_async_copy(
                lut_hbm.at[idx_all.at[pl.ds(step * W, W)]], g.at[q],
                gsem[q]).wait()

        def start_write(step, q):
            pltpu.make_async_copy(
                tr.at[q], out_hbm.at[pl.ds(base + step * W, W), :],
                wsem[q]).start()

        def wait_write(step, q):
            pltpu.make_async_copy(
                tr.at[q], out_hbm.at[pl.ds(base + step * W, W), :],
                wsem[q]).wait()

        def scale(q):
            @plsc.parallel_loop(0, W, step=1, unroll=8)
            def _(j):
                for c in range(0, D, 16):
                    v = g[q, j, pl.ds(c, 16)]
                    tr.at[q, j, pl.ds(c, 16)][...] = v * SCALE

        start_gather(0, 0)

        @pl.loop(0, TS, step=2)
        def _(k0):
            for p in (0, 1):
                kk = k0 + p
                q = 1 - p

                @pl.when(kk < TS - 1)
                def _():
                    start_gather(kk + 1, q)

                wait_gather(kk, p)

                @pl.when(kk >= 2)
                def _():
                    wait_write(kk - 2, p)

                scale(p)
                start_write(kk, p)

        wait_write(TS - 2, 0)
        wait_write(TS - 1, 1)

    return k(lut, xin)


def kernel(x, lut):
    xin = x.reshape(1, N)
    out = _sc_gather(lut, xin)
    return out.reshape(x.shape[0], x.shape[1], D)

# --- scband reference (transcript-rebuilt; emitter-appended) ---
"""Pipeline reference for scband-embeddings-35545149341843 (READ-ONLY COPY).

The authoritative reference and input builder live on the scoring server;
editing this copy changes nothing except your own understanding.
"""

import jax, jax.numpy as jnp
import numpy as np
import math

D_MODEL = 64
VOCAB = 1000000

def setup_inputs(seed: int = 0) -> dict:
    key = jax.random.key(seed)
    k1, k2 = jax.random.split(key)
    x = jax.random.randint(k1, (4096, 200), 0, VOCAB, dtype=jnp.int64 if jax.config.jax_enable_x64 else jnp.int32).astype(jnp.int32)
    lut = jax.random.normal(k2, (VOCAB, D_MODEL), dtype=jnp.float32)
    return {"x": x, "lut": lut}

def reference(x, lut):
    # Embeddings.forward: lut(x) * sqrt(d_model)
    emb = jnp.take(lut, x, axis=0)
    return emb * math.sqrt(D_MODEL)

if __name__ == "__main__":
    import jax
    _d = setup_inputs()
    print(jax.jit(kernel)(*tuple(_d.values())))

</pallas_src>

<mosaic_0001>
#map = affine_map<(d0, d1) -> (0, 0)>
module attributes {stable_mosaic.version = 14 : i64} {
  func.func @k(%arg0: i32, %arg1: i32, %arg2: memref<1000000x64xf32, #tpu.memory_space<hbm>>, %arg3: memref<1x819200xi32, #tpu.memory_space<hbm>>, %arg4: memref<819200x64xf32, #tpu.memory_space<hbm>>, %arg5: memref<25600xi32, #tpu.memory_space<vmem>>, %arg6: memref<2x128x64xf32, #tpu.memory_space<vmem>>, %arg7: memref<2x128x64xf32, #tpu.memory_space<vmem>>, %arg8: memref<!tpu.dma_semaphore, #tpu.memory_space<semaphore_mem>>, %arg9: memref<!tpu.dma_semaphore, #tpu.memory_space<semaphore_mem>>, %arg10: memref<!tpu.dma_semaphore, #tpu.memory_space<semaphore_mem>>, %arg11: memref<!tpu.dma_semaphore, #tpu.memory_space<semaphore_mem>>, %arg12: memref<!tpu.dma_semaphore, #tpu.memory_space<semaphore_mem>>) attributes {dimension_semantics = [#tpu.dimension_semantics<core_parallel>, #tpu.dimension_semantics<subcore_parallel>], iteration_bounds = array<i64: 2, 16>, scalar_prefetch = 0 : i64, scratch_operands = 8 : i64, tpu.core_type = #tpu.core_type<sc_vector_subcore>, window_params = [{transform_indices = #map}, {transform_indices = #map}, {transform_indices = #map}]} {
    %mul3A = arith.constant 2 : i32
    %mul3A_0 = arith.muli %arg1, %mul3A : i32
    %add3A = arith.addi %mul3A_0, %arg0 : i32
    %mul3A_1 = arith.constant 25600 : i32
    %mul3A_2 = arith.muli %add3A, %mul3A_1 : i32
    %dma_start3A = arith.constant 0 : i32
    %dma_start3A_3 = tpu.memref_slice %arg3[%dma_start3A, %mul3A_2] : memref<1x819200xi32, #tpu.memory_space<hbm>> -> memref<1x25600xi32, #tpu.memory_space<hbm>>
    %dma_start3A_4 = tpu.memref_squeeze %dma_start3A_3 : memref<1x25600xi32, #tpu.memory_space<hbm>> -> memref<25600xi32, #tpu.memory_space<hbm>>
    %dma_start3A_5 = tpu.memref_slice %arg3[%dma_start3A, %mul3A_2] : memref<1x819200xi32, #tpu.memory_space<hbm>> -> memref<1x25600xi32, #tpu.memory_space<hbm>>
    %dma_start3A_6 = tpu.memref_squeeze %dma_start3A_5 : memref<1x25600xi32, #tpu.memory_space<hbm>> -> memref<25600xi32, #tpu.memory_space<hbm>>
    tpu.enqueue_dma source(%dma_start3A_6 : memref<25600xi32, #tpu.memory_space<hbm>>) target(%arg5 : memref<25600xi32, #tpu.memory_space<vmem>>) target_semaphore(%arg12 : memref<!tpu.dma_semaphore, #tpu.memory_space<semaphore_mem>>)
    %dma_wait3A = arith.constant 0 : i32
    %dma_wait3A_7 = tpu.memref_slice %arg3[%dma_wait3A, %mul3A_2] : memref<1x819200xi32, #tpu.memory_space<hbm>> -> memref<1x25600xi32, #tpu.memory_space<hbm>>
    %dma_wait3A_8 = tpu.memref_squeeze %dma_wait3A_7 : memref<1x25600xi32, #tpu.memory_space<hbm>> -> memref<25600xi32, #tpu.memory_space<hbm>>
    %dma_wait3A_9 = tpu.memref_slice %arg3[%dma_wait3A, %mul3A_2] : memref<1x819200xi32, #tpu.memory_space<hbm>> -> memref<1x25600xi32, #tpu.memory_space<hbm>>
    %dma_wait3A_10 = tpu.memref_squeeze %dma_wait3A_9 : memref<1x25600xi32, #tpu.memory_space<hbm>> -> memref<25600xi32, #tpu.memory_space<hbm>>
    tpu.wait_dma2 semaphore(%arg12 : memref<!tpu.dma_semaphore, #tpu.memory_space<semaphore_mem>>) src(%dma_wait3A_10 : memref<25600xi32, #tpu.memory_space<hbm>>) dst(%arg5 : memref<25600xi32, #tpu.memory_space<vmem>>)
    %dma_start3A_11 = arith.constant 0 : i32
    %dma_start3A_12 = arith.constant 0 : i32
    %dma_start3A_13 = arith.constant 0 : i32
    %dma_start3A_14 = tpu.memref_slice %arg6[%dma_start3A_11, %dma_start3A_12, %dma_start3A_13] : memref<2x128x64xf32, #tpu.memory_space<vmem>> -> memref<1x128x64xf32, #tpu.memory_space<vmem>>
    %dma_start3A_15 = tpu.memref_squeeze %dma_start3A_14 : memref<1x128x64xf32, #tpu.memory_space<vmem>> -> memref<128x64xf32, #tpu.memory_space<vmem>>
    %dma_start3A_16 = arith.constant 0 : i32
    %dma_start3A_17 = tpu.memref_slice %arg5[%dma_start3A_16] : memref<25600xi32, #tpu.memory_space<vmem>> -> memref<128xi32, #tpu.memory_space<vmem>>
    %dma_start3A_18 = arith.constant 0 : i32
    %dma_start3A_19 = arith.constant 0 : i32
    %dma_start3A_20 = tpu.memref_slice %arg2[%dma_start3A_18, %dma_start3A_19] : memref<1000000x64xf32, #tpu.memory_space<hbm>> -> memref<1000000x64xf32, #tpu.memory_space<hbm>>
    tpu.enqueue_indirect_dma source(%dma_start3A_20 : memref<1000000x64xf32, #tpu.memory_space<hbm>>) target(%dma_start3A_15 : memref<128x64xf32, #tpu.memory_space<vmem>>) offsets(%dma_start3A_17 : memref<128xi32, #tpu.memory_space<vmem>>) semaphore(%arg8 : memref<!tpu.dma_semaphore, #tpu.memory_space<semaphore_mem>>)
    %scan3A = arith.constant 0 : i32
    %scan3A_21 = arith.constant 100 : i32
    %scan3A_22 = arith.addi %scan3A, %scan3A_21 : i32
    %scan3A_23 = arith.constant 1 : i32
    scf.for %scan3A_55 = %scan3A to %scan3A_22 step %scan3A_23  : i32 {
      %mul3A_56 = arith.constant 2 : i32
      %mul3A_57 = arith.muli %scan3A_55, %mul3A_56 : i32
      %add3A_58 = arith.constant 0 : i32
      %add3A_59 = arith.addi %add3A_58, %mul3A_57 : i32
      %add3A_60 = arith.constant 0 : i32
      %add3A_61 = arith.addi %add3A_59, %add3A_60 : i32
      %lt3A = arith.constant 199 : i32
      %lt3A_62 = arith.cmpi slt, %add3A_61, %lt3A : i32
      %convert_element_type3A = arith.extui %lt3A_62 : i1 to i32
      %cond3A = arith.constant 0 : i32
      %cond3A_63 = arith.cmpi ne, %convert_element_type3A, %cond3A : i32
      scf.if %cond3A_63 {
        %add3A_139 = arith.constant 1 : i32
        %add3A_140 = arith.addi %add3A_61, %add3A_139 : i32
        %mul3A_141 = arith.constant 128 : i32
        %mul3A_142 = arith.muli %add3A_140, %mul3A_141 : i32
        %dma_start3A_143 = arith.constant 1 : i32
        %dma_start3A_144 = arith.constant 0 : i32
        %dma_start3A_145 = arith.constant 0 : i32
        %dma_start3A_146 = tpu.memref_slice %arg6[%dma_start3A_143, %dma_start3A_144, %dma_start3A_145] : memref<2x128x64xf32, #tpu.memory_space<vmem>> -> memref<1x128x64xf32, #tpu.memory_space<vmem>>
        %dma_start3A_147 = tpu.memref_squeeze %dma_start3A_146 : memref<1x128x64xf32, #tpu.memory_space<vmem>> -> memref<128x64xf32, #tpu.memory_space<vmem>>
        %dma_start3A_148 = tpu.memref_slice %arg5[%mul3A_142] : memref<25600xi32, #tpu.memory_space<vmem>> -> memref<128xi32, #tpu.memory_space<vmem>>
        %dma_start3A_149 = arith.constant 0 : i32
        %dma_start3A_150 = arith.constant 0 : i32
        %dma_start3A_151 = tpu.memref_slice %arg2[%dma_start3A_149, %dma_start3A_150] : memref<1000000x64xf32, #tpu.memory_space<hbm>> -> memref<1000000x64xf32, #tpu.memory_space<hbm>>
        tpu.enqueue_indirect_dma source(%dma_start3A_151 : memref<1000000x64xf32, #tpu.memory_space<hbm>>) target(%dma_start3A_147 : memref<128x64xf32, #tpu.memory_space<vmem>>) offsets(%dma_start3A_148 : memref<128xi32, #tpu.memory_space<vmem>>) semaphore(%arg9 : memref<!tpu.dma_semaphore, #tpu.memory_space<semaphore_mem>>)
      } else {
      }
      %mul3A_64 = arith.constant 128 : i32
      %mul3A_65 = arith.muli %add3A_61, %mul3A_64 : i32
      %dma_wait3A_66 = arith.constant 0 : i32
      %dma_wait3A_67 = arith.constant 0 : i32
      %dma_wait3A_68 = arith.constant 0 : i32
      %dma_wait3A_69 = tpu.memref_slice %arg6[%dma_wait3A_66, %dma_wait3A_67, %dma_wait3A_68] : memref<2x128x64xf32, #tpu.memory_space<vmem>> -> memref<1x128x64xf32, #tpu.memory_space<vmem>>
      %dma_wait3A_70 = tpu.memref_squeeze %dma_wait3A_69 : memref<1x128x64xf32, #tpu.memory_space<vmem>> -> memref<128x64xf32, #tpu.memory_space<vmem>>
      %dma_wait3A_71 = tpu.memref_slice %arg5[%mul3A_65] : memref<25600xi32, #tpu.memory_space<vmem>> -> memref<128xi32, #tpu.memory_space<vmem>>
      %dma_wait3A_72 = arith.constant 0 : i32
      %dma_wait3A_73 = arith.constant 0 : i32
      %dma_wait3A_74 = tpu.memref_slice %arg2[%dma_wait3A_72, %dma_wait3A_73] : memref<1000000x64xf32, #tpu.memory_space<hbm>> -> memref<1000000x64xf32, #tpu.memory_space<hbm>>
      tpu.wait_indirect_dma semaphore(%arg8 : memref<!tpu.dma_semaphore, #tpu.memory_space<semaphore_mem>>) src(%dma_wait3A_74 : memref<1000000x64xf32, #tpu.memory_space<hbm>>) dst(%dma_wait3A_70 : memref<128x64xf32, #tpu.memory_space<vmem>>)
      %ge3A = arith.constant 2 : i32
      %ge3A_75 = arith.cmpi sge, %add3A_61, %ge3A : i32
      %convert_element_type3A_76 = arith.extui %ge3A_75 : i1 to i32
      %cond3A_77 = arith.constant 0 : i32
      %cond3A_78 = arith.cmpi ne, %convert_element_type3A_76, %cond3A_77 : i32
      scf.if %cond3A_78 {
        %sub3A = arith.constant 2 : i32
        %sub3A_139 = arith.subi %add3A_61, %sub3A : i32
        %mul3A_140 = arith.constant 128 : i32
        %mul3A_141 = arith.muli %sub3A_139, %mul3A_140 : i32
        %add3A_142 = arith.addi %mul3A_2, %mul3A_141 : i32
        %dma_wait3A_143 = arith.constant 0 : i32
        %dma_wait3A_144 = arith.constant 0 : i32
        %dma_wait3A_145 = arith.constant 0 : i32
        %dma_wait3A_146 = tpu.memref_slice %arg7[%dma_wait3A_143, %dma_wait3A_144, %dma_wait3A_145] : memref<2x128x64xf32, #tpu.memory_space<vmem>> -> memref<1x128x64xf32, #tpu.memory_space<vmem>>
        %dma_wait3A_147 = tpu.memref_squeeze %dma_wait3A_146 : memref<1x128x64xf32, #tpu.memory_space<vmem>> -> memref<128x64xf32, #tpu.memory_space<vmem>>
        %dma_wait3A_148 = arith.constant 0 : i32
        %dma_wait3A_149 = tpu.memref_slice %arg4[%add3A_142, %dma_wait3A_148] : memref<819200x64xf32, #tpu.memory_space<hbm>> -> memref<128x64xf32, #tpu.memory_space<hbm>>
        %dma_wait3A_150 = arith.constant 0 : i32
        %dma_wait3A_151 = tpu.memref_slice %arg4[%add3A_142, %dma_wait3A_150] : memref<819200x64xf32, #tpu.memory_space<hbm>> -> memref<128x64xf32, #tpu.memory_space<hbm>>
        %dma_wait3A_152 = arith.constant 0 : i32
        %dma_wait3A_153 = arith.constant 0 : i32
        %dma_wait3A_154 = tpu.memref_slice %arg7[%dma_wait3A_143, %dma_wait3A_152, %dma_wait3A_153] : memref<2x128x64xf32, #tpu.memory_space<vmem>> -> memref<1x128x64xf32, #tpu.memory_space<vmem>>
        %dma_wait3A_155 = tpu.memref_squeeze %dma_wait3A_154 : memref<1x128x64xf32, #tpu.memory_space<vmem>> -> memref<128x64xf32, #tpu.memory_space<vmem>>
        tpu.wait_dma2 semaphore(%arg10 : memref<!tpu.dma_semaphore, #tpu.memory_space<semaphore_mem>>) src(%dma_wait3A_155 : memref<128x64xf32, #tpu.memory_space<vmem>>) dst(%dma_wait3A_151 : memref<128x64xf32, #tpu.memory_space<hbm>>)
      } else {
      }
      %parallel_loop3A = arith.constant 0 : i32
      %parallel_loop3A_79 = arith.constant 128 : i32
      %parallel_loop3A_80 = arith.constant 1 : i32
      scf.for %parallel_loop3A_139 = %parallel_loop3A to %parallel_loop3A_79 step %parallel_loop3A_80  : i32 {
        %parallel_loop3A_140 = arith.constant 0 : i32
        %parallel_loop3A_141 = arith.index_cast %parallel_loop3A_140 : i32 to index
        %parallel_loop3A_142 = arith.index_cast %parallel_loop3A_139 : i32 to index
        %parallel_loop3A_143 = arith.constant 0 : index
        %parallel_loop3A_144 = tpu.vector_load %arg6[%parallel_loop3A_141, %parallel_loop3A_142, %parallel_loop3A_143] {strides = array<i32>} : memref<2x128x64xf32, #tpu.memory_space<vmem>>, vector<1x1x16xf32>,
        %parallel_loop3A_145 = vector.shape_cast %parallel_loop3A_144 : vector<1x1x16xf32> to vector<16xf32>
        %parallel_loop3A_146 = arith.constant 8.000000e+00 : f32
        %parallel_loop3A_147 = vector.broadcast %parallel_loop3A_146 : f32 to vector<16xf32>
        %parallel_loop3A_148 = arith.mulf %parallel_loop3A_145, %parallel_loop3A_147 : vector<16xf32>
        %parallel_loop3A_149 = arith.constant 0 : i32
        %parallel_loop3A_150 = arith.index_cast %parallel_loop3A_149 : i32 to index
        %parallel_loop3A_151 = arith.index_cast %parallel_loop3A_139 : i32 to index
        %parallel_loop3A_152 = arith.constant 0 : index
        %parallel_loop3A_153 = tpu.vector_load %arg7[%parallel_loop3A_150, %parallel_loop3A_151, %parallel_loop3A_152] {strides = array<i32>} : memref<2x128x64xf32, #tpu.memory_space<vmem>>, vector<1x1x16xf32>,
        %parallel_loop3A_154 = vector.shape_cast %parallel_loop3A_153 : vector<1x1x16xf32> to vector<16xf32>
        %parallel_loop3A_155 = vector.shape_cast %parallel_loop3A_148 : vector<16xf32> to vector<1x1x16xf32>
        tpu.vector_store %arg7[%parallel_loop3A_150, %parallel_loop3A_151, %parallel_loop3A_152], %parallel_loop3A_155 {strides = array<i32>} : memref<2x128x64xf32, #tpu.memory_space<vmem>>, vector<1x1x16xf32>,
        %parallel_loop3A_156 = arith.constant 0 : i32
        %parallel_loop3A_157 = arith.index_cast %parallel_loop3A_156 : i32 to index
        %parallel_loop3A_158 = arith.index_cast %parallel_loop3A_139 : i32 to index
        %parallel_loop3A_159 = arith.constant 16 : index
        %parallel_loop3A_160 = tpu.vector_load %arg6[%parallel_loop3A_157, %parallel_loop3A_158, %parallel_loop3A_159] {strides = array<i32>} : memref<2x128x64xf32, #tpu.memory_space<vmem>>, vector<1x1x16xf32>,
        %parallel_loop3A_161 = vector.shape_cast %parallel_loop3A_160 : vector<1x1x16xf32> to vector<16xf32>
        %parallel_loop3A_162 = arith.constant 8.000000e+00 : f32
        %parallel_loop3A_163 = vector.broadcast %parallel_loop3A_162 : f32 to vector<16xf32>
        %parallel_loop3A_164 = arith.mulf %parallel_loop3A_161, %parallel_loop3A_163 : vector<16xf32>
        %parallel_loop3A_165 = arith.constant 0 : i32
        %parallel_loop3A_166 = arith.index_cast %parallel_loop3A_165 : i32 to index
        %parallel_loop3A_167 = arith.index_cast %parallel_loop3A_139 : i32 to index
        %parallel_loop3A_168 = arith.constant 16 : index
        %parallel_loop3A_169 = tpu.vector_load %arg7[%parallel_loop3A_166, %parallel_loop3A_167, %parallel_loop3A_168] {strides = array<i32>} : memref<2x128x64xf32, #tpu.memory_space<vmem>>, vector<1x1x16xf32>,
        %parallel_loop3A_170 = vector.shape_cast %parallel_loop3A_169 : vector<1x1x16xf32> to vector<16xf32>
        %parallel_loop3A_171 = vector.shape_cast %parallel_loop3A_164 : vector<16xf32> to vector<1x1x16xf32>
        tpu.vector_store %arg7[%parallel_loop3A_166, %parallel_loop3A_167, %parallel_loop3A_168], %parallel_loop3A_171 {strides = array<i32>} : memref<2x128x64xf32, #tpu.memory_space<vmem>>, vector<1x1x16xf32>,
        %parallel_loop3A_172 = arith.constant 0 : i32
        %parallel_loop3A_173 = arith.index_cast %parallel_loop3A_172 : i32 to index
        %parallel_loop3A_174 = arith.index_cast %parallel_loop3A_139 : i32 to index
        %parallel_loop3A_175 = arith.constant 32 : index
        %parallel_loop3A_176 = tpu.vector_load %arg6[%parallel_loop3A_173, %parallel_loop3A_174, %parallel_loop3A_175] {strides = array<i32>} : memref<2x128x64xf32, #tpu.memory_space<vmem>>, vector<1x1x16xf32>,
        %parallel_loop3A_177 = vector.shape_cast %parallel_loop3A_176 : vector<1x1x16xf32> to vector<16xf32>
        %parallel_loop3A_178 = arith.constant 8.000000e+00 : f32
        %parallel_loop3A_179 = vector.broadcast %parallel_loop3A_178 : f32 to vector<16xf32>
        %parallel_loop3A_180 = arith.mulf %parallel_loop3A_177, %parallel_loop3A_179 : vector<16xf32>
        %parallel_loop3A_181 = arith.constant 0 : i32
        %parallel_loop3A_182 = arith.index_cast %parallel_loop3A_181 : i32 to index
        %parallel_loop3A_183 = arith.index_cast %parallel_loop3A_139 : i32 to index
        %parallel_loop3A_184 = arith.constant 32 : index
        %parallel_loop3A_185 = tpu.vector_load %arg7[%parallel_loop3A_182, %parallel_loop3A_183, %parallel_loop3A_184] {strides = array<i32>} : memref<2x128x64xf32, #tpu.memory_space<vmem>>, vector<1x1x16xf32>,
        %parallel_loop3A_186 = vector.shape_cast %parallel_loop3A_185 : vector<1x1x16xf32> to vector<16xf32>
        %parallel_loop3A_187 = vector.shape_cast %parallel_loop3A_180 : vector<16xf32> to vector<1x1x16xf32>
        tpu.vector_store %arg7[%parallel_loop3A_182, %parallel_loop3A_183, %parallel_loop3A_184], %parallel_loop3A_187 {strides = array<i32>} : memref<2x128x64xf32, #tpu.memory_space<vmem>>, vector<1x1x16xf32>,
        %parallel_loop3A_188 = arith.constant 0 : i32
        %parallel_loop3A_189 = arith.index_cast %parallel_loop3A_188 : i32 to index
        %parallel_loop3A_190 = arith.index_cast %parallel_loop3A_139 : i32 to index
        %parallel_loop3A_191 = arith.constant 48 : index
        %parallel_loop3A_192 = tpu.vector_load %arg6[%parallel_loop3A_189, %parallel_loop3A_190, %parallel_loop3A_191] {strides = array<i32>} : memref<2x128x64xf32, #tpu.memory_space<vmem>>, vector<1x1x16xf32>,
        %parallel_loop3A_193 = vector.shape_cast %parallel_loop3A_192 : vector<1x1x16xf32> to vector<16xf32>
        %parallel_loop3A_194 = arith.constant 8.000000e+00 : f32
        %parallel_loop3A_195 = vector.broadcast %parallel_loop3A_194 : f32 to vector<16xf32>
        %parallel_loop3A_196 = arith.mulf %parallel_loop3A_193, %parallel_loop3A_195 : vector<16xf32>
        %parallel_loop3A_197 = arith.constant 0 : i32
        %parallel_loop3A_198 = arith.index_cast %parallel_loop3A_197 : i32 to index
        %parallel_loop3A_199 = arith.index_cast %parallel_loop3A_139 : i32 to index
        %parallel_loop3A_200 = arith.constant 48 : index
        %parallel_loop3A_201 = tpu.vector_load %arg7[%parallel_loop3A_198, %parallel_loop3A_199, %parallel_loop3A_200] {strides = array<i32>} : memref<2x128x64xf32, #tpu.memory_space<vmem>>, vector<1x1x16xf32>,
        %parallel_loop3A_202 = vector.shape_cast %parallel_loop3A_201 : vector<1x1x16xf32> to vector<16xf32>
        %parallel_loop3A_203 = vector.shape_cast %parallel_loop3A_196 : vector<16xf32> to vector<1x1x16xf32>
        tpu.vector_store %arg7[%parallel_loop3A_198, %parallel_loop3A_199, %parallel_loop3A_200], %parallel_loop3A_203 {strides = array<i32>} : memref<2x128x64xf32, #tpu.memory_space<vmem>>, vector<1x1x16xf32>,
      } {sc.loop_unroll_factor = 8 : i64, sc.parallel_access}
      %mul3A_81 = arith.constant 128 : i32
      %mul3A_82 = arith.muli %add3A_61, %mul3A_81 : i32
      %add3A_83 = arith.addi %mul3A_2, %mul3A_82 : i32
      %dma_start3A_84 = arith.constant 0 : i32
      %dma_start3A_85 = arith.constant 0 : i32
      %dma_start3A_86 = arith.constant 0 : i32
      %dma_start3A_87 = tpu.memref_slice %arg7[%dma_start3A_84, %dma_start3A_85, %dma_start3A_86] : memref<2x128x64xf32, #tpu.memory_space<vmem>> -> memref<1x128x64xf32, #tpu.memory_space<vmem>>
      %dma_start3A_88 = tpu.memref_squeeze %dma_start3A_87 : memref<1x128x64xf32, #tpu.memory_space<vmem>> -> memref<128x64xf32, #tpu.memory_space<vmem>>
      %dma_start3A_89 = arith.constant 0 : i32
      %dma_start3A_90 = tpu.memref_slice %arg4[%add3A_83, %dma_start3A_89] : memref<819200x64xf32, #tpu.memory_space<hbm>> -> memref<128x64xf32, #tpu.memory_space<hbm>>
      %dma_start3A_91 = arith.constant 0 : i32
      %dma_start3A_92 = tpu.memref_slice %arg4[%add3A_83, %dma_start3A_91] : memref<819200x64xf32, #tpu.memory_space<hbm>> -> memref<128x64xf32, #tpu.memory_space<hbm>>
      %dma_start3A_93 = arith.constant 0 : i32
      %dma_start3A_94 = arith.constant 0 : i32
      %dma_start3A_95 = tpu.memref_slice %arg7[%dma_start3A_84, %dma_start3A_93, %dma_start3A_94] : memref<2x128x64xf32, #tpu.memory_space<vmem>> -> memref<1x128x64xf32, #tpu.memory_space<vmem>>
      %dma_start3A_96 = tpu.memref_squeeze %dma_start3A_95 : memref<1x128x64xf32, #tpu.memory_space<vmem>> -> memref<128x64xf32, #tpu.memory_space<vmem>>
      tpu.enqueue_dma source(%dma_start3A_96 : memref<128x64xf32, #tpu.memory_space<vmem>>) target(%dma_start3A_92 : memref<128x64xf32, #tpu.memory_space<hbm>>) target_semaphore(%arg10 : memref<!tpu.dma_semaphore, #tpu.memory_space<semaphore_mem>>)
      %add3A_97 = arith.constant 1 : i32
      %add3A_98 = arith.addi %add3A_59, %add3A_97 : i32
      %lt3A_99 = arith.constant 199 : i32
      %lt3A_100 = arith.cmpi slt, %add3A_98, %lt3A_99 : i32
      %convert_element_type3A_101 = arith.extui %lt3A_100 : i1 to i32
      %cond3A_102 = arith.constant 0 : i32
      %cond3A_103 = arith.cmpi ne, %convert_element_type3A_101, %cond3A_102 : i32
      scf.if %cond3A_103 {
        %add3A_139 = arith.constant 1 : i32
        %add3A_140 = arith.addi %add3A_98, %add3A_139 : i32
        %mul3A_141 = arith.constant 128 : i32
        %mul3A_142 = arith.muli %add3A_140, %mul3A_141 : i32
        %dma_start3A_143 = arith.constant 0 : i32
        %dma_start3A_144 = arith.constant 0 : i32
        %dma_start3A_145 = arith.constant 0 : i32
        %dma_start3A_146 = tpu.memref_slice %arg6[%dma_start3A_143, %dma_start3A_144, %dma_start3A_145] : memref<2x128x64xf32, #tpu.memory_space<vmem>> -> memref<1x128x64xf32, #tpu.memory_space<vmem>>
        %dma_start3A_147 = tpu.memref_squeeze %dma_start3A_146 : memref<1x128x64xf32, #tpu.memory_space<vmem>> -> memref<128x64xf32, #tpu.memory_space<vmem>>
        %dma_start3A_148 = tpu.memref_slice %arg5[%mul3A_142] : memref<25600xi32, #tpu.memory_space<vmem>> -> memref<128xi32, #tpu.memory_space<vmem>>
        %dma_start3A_149 = arith.constant 0 : i32
        %dma_start3A_150 = arith.constant 0 : i32
        %dma_start3A_151 = tpu.memref_slice %arg2[%dma_start3A_149, %dma_start3A_150] : memref<1000000x64xf32, #tpu.memory_space<hbm>> -> memref<1000000x64xf32, #tpu.memory_space<hbm>>
        tpu.enqueue_indirect_dma source(%dma_start3A_151 : memref<1000000x64xf32, #tpu.memory_space<hbm>>) target(%dma_start3A_147 : memref<128x64xf32, #tpu.memory_space<vmem>>) offsets(%dma_start3A_148 : memref<128xi32, #tpu.memory_space<vmem>>) semaphore(%arg8 : memref<!tpu.dma_semaphore, #tpu.memory_space<semaphore_mem>>)
      } else {
      }
      %mul3A_104 = arith.constant 128 : i32
      %mul3A_105 = arith.muli %add3A_98, %mul3A_104 : i32
      %dma_wait3A_106 = arith.constant 1 : i32
      %dma_wait3A_107 = arith.constant 0 : i32
      %dma_wait3A_108 = arith.constant 0 : i32
      %dma_wait3A_109 = tpu.memref_slice %arg6[%dma_wait3A_106, %dma_wait3A_107, %dma_wait3A_108] : memref<2x128x64xf32, #tpu.memory_space<vmem>> -> memref<1x128x64xf32, #tpu.memory_space<vmem>>
      %dma_wait3A_110 = tpu.memref_squeeze %dma_wait3A_109 : memref<1x128x64xf32, #tpu.memory_space<vmem>> -> memref<128x64xf32, #tpu.memory_space<vmem>>
      %dma_wait3A_111 = tpu.memref_slice %arg5[%mul3A_105] : memref<25600xi32, #tpu.memory_space<vmem>> -> memref<128xi32, #tpu.memory_space<vmem>>
      %dma_wait3A_112 = arith.constant 0 : i32
      %dma_wait3A_113 = arith.constant 0 : i32
      %dma_wait3A_114 = tpu.memref_slice %arg2[%dma_wait3A_112, %dma_wait3A_113] : memref<1000000x64xf32, #tpu.memory_space<hbm>> -> memref<1000000x64xf32, #tpu.memory_space<hbm>>
      tpu.wait_indirect_dma semaphore(%arg9 : memref<!tpu.dma_semaphore, #tpu.memory_space<semaphore_mem>>) src(%dma_wait3A_114 : memref<1000000x64xf32, #tpu.memory_space<hbm>>) dst(%dma_wait3A_110 : memref<128x64xf32, #tpu.memory_space<vmem>>)
      %ge3A_115 = arith.constant 2 : i32
      %ge3A_116 = arith.cmpi sge, %add3A_98, %ge3A_115 : i32
      %convert_element_type3A_117 = arith.extui %ge3A_116 : i1 to i32
      %cond3A_118 = arith.constant 0 : i32
      %cond3A_119 = arith.cmpi ne, %convert_element_type3A_117, %cond3A_118 : i32
      scf.if %cond3A_119 {
        %sub3A = arith.constant 2 : i32
        %sub3A_139 = arith.subi %add3A_98, %sub3A : i32
        %mul3A_140 = arith.constant 128 : i32
        %mul3A_141 = arith.muli %sub3A_139, %mul3A_140 : i32
        %add3A_142 = arith.addi %mul3A_2, %mul3A_141 : i32
        %dma_wait3A_143 = arith.constant 1 : i32
        %dma_wait3A_144 = arith.constant 0 : i32
        %dma_wait3A_145 = arith.constant 0 : i32
        %dma_wait3A_146 = tpu.memref_slice %arg7[%dma_wait3A_143, %dma_wait3A_144, %dma_wait3A_145] : memref<2x128x64xf32, #tpu.memory_space<vmem>> -> memref<1x128x64xf32, #tpu.memory_space<vmem>>
        %dma_wait3A_147 = tpu.memref_squeeze %dma_wait3A_146 : memref<1x128x64xf32, #tpu.memory_space<vmem>> -> memref<128x64xf32, #tpu.memory_space<vmem>>
        %dma_wait3A_148 = arith.constant 0 : i32
        %dma_wait3A_149 = tpu.memref_slice %arg4[%add3A_142, %dma_wait3A_148] : memref<819200x64xf32, #tpu.memory_space<hbm>> -> memref<128x64xf32, #tpu.memory_space<hbm>>
        %dma_wait3A_150 = arith.constant 0 : i32
        %dma_wait3A_151 = tpu.memref_slice %arg4[%add3A_142, %dma_wait3A_150] : memref<819200x64xf32, #tpu.memory_space<hbm>> -> memref<128x64xf32, #tpu.memory_space<hbm>>
        %dma_wait3A_152 = arith.constant 0 : i32
        %dma_wait3A_153 = arith.constant 0 : i32
        %dma_wait3A_154 = tpu.memref_slice %arg7[%dma_wait3A_143, %dma_wait3A_152, %dma_wait3A_153] : memref<2x128x64xf32, #tpu.memory_space<vmem>> -> memref<1x128x64xf32, #tpu.memory_space<vmem>>
        %dma_wait3A_155 = tpu.memref_squeeze %dma_wait3A_154 : memref<1x128x64xf32, #tpu.memory_space<vmem>> -> memref<128x64xf32, #tpu.memory_space<vmem>>
        tpu.wait_dma2 semaphore(%arg11 : memref<!tpu.dma_semaphore, #tpu.memory_space<semaphore_mem>>) src(%dma_wait3A_155 : memref<128x64xf32, #tpu.memory_space<vmem>>) dst(%dma_wait3A_151 : memref<128x64xf32, #tpu.memory_space<hbm>>)
      } else {
      }
      %parallel_loop3A_120 = arith.constant 0 : i32
      %parallel_loop3A_121 = arith.constant 128 : i32
      %parallel_loop3A_122 = arith.constant 1 : i32
      scf.for %parallel_loop3A_139 = %parallel_loop3A_120 to %parallel_loop3A_121 step %parallel_loop3A_122  : i32 {
        %parallel_loop3A_140 = arith.constant 1 : i32
        %parallel_loop3A_141 = arith.index_cast %parallel_loop3A_140 : i32 to index
        %parallel_loop3A_142 = arith.index_cast %parallel_loop3A_139 : i32 to index
        %parallel_loop3A_143 = arith.constant 0 : index
        %parallel_loop3A_144 = tpu.vector_load %arg6[%parallel_loop3A_141, %parallel_loop3A_142, %parallel_loop3A_143] {strides = array<i32>} : memref<2x128x64xf32, #tpu.memory_space<vmem>>, vector<1x1x16xf32>,
        %parallel_loop3A_145 = vector.shape_cast %parallel_loop3A_144 : vector<1x1x16xf32> to vector<16xf32>
        %parallel_loop3A_146 = arith.constant 8.000000e+00 : f32
        %parallel_loop3A_147 = vector.broadcast %parallel_loop3A_146 : f32 to vector<16xf32>
        %parallel_loop3A_148 = arith.mulf %parallel_loop3A_145, %parallel_loop3A_147 : vector<16xf32>
        %parallel_loop3A_149 = arith.constant 1 : i32
        %parallel_loop3A_150 = arith.index_cast %parallel_loop3A_149 : i32 to index
        %parallel_loop3A_151 = arith.index_cast %parallel_loop3A_139 : i32 to index
        %parallel_loop3A_152 = arith.constant 0 : index
        %parallel_loop3A_153 = tpu.vector_load %arg7[%parallel_loop3A_150, %parallel_loop3A_151, %parallel_loop3A_152] {strides = array<i32>} : memref<2x128x64xf32, #tpu.memory_space<vmem>>, vector<1x1x16xf32>,
        %parallel_loop3A_154 = vector.shape_cast %parallel_loop3A_153 : vector<1x1x16xf32> to vector<16xf32>
        %parallel_loop3A_155 = vector.shape_cast %parallel_loop3A_148 : vector<16xf32> to vector<1x1x16xf32>
        tpu.vector_store %arg7[%parallel_loop3A_150, %parallel_loop3A_151, %parallel_loop3A_152], %parallel_loop3A_155 {strides = array<i32>} : memref<2x128x64xf32, #tpu.memory_space<vmem>>, vector<1x1x16xf32>,
        %parallel_loop3A_156 = arith.constant 1 : i32
        %parallel_loop3A_157 = arith.index_cast %parallel_loop3A_156 : i32 to index
        %parallel_loop3A_158 = arith.index_cast %parallel_loop3A_139 : i32 to index
        %parallel_loop3A_159 = arith.constant 16 : index
        %parallel_loop3A_160 = tpu.vector_load %arg6[%parallel_loop3A_157, %parallel_loop3A_158, %parallel_loop3A_159] {strides = array<i32>} : memref<2x128x64xf32, #tpu.memory_space<vmem>>, vector<1x1x16xf32>,
        %parallel_loop3A_161 = vector.shape_cast %parallel_loop3A_160 : vector<1x1x16xf32> to vector<16xf32>
        %parallel_loop3A_162 = arith.constant 8.000000e+00 : f32
        %parallel_loop3A_163 = vector.broadcast %parallel_loop3A_162 : f32 to vector<16xf32>
        %parallel_loop3A_164 = arith.mulf %parallel_loop3A_161, %parallel_loop3A_163 : vector<16xf32>
        %parallel_loop3A_165 = arith.constant 1 : i32
        %parallel_loop3A_166 = arith.index_cast %parallel_loop3A_165 : i32 to index
        %parallel_loop3A_167 = arith.index_cast %parallel_loop3A_139 : i32 to index
        %parallel_loop3A_168 = arith.constant 16 : index
        %parallel_loop3A_169 = tpu.vector_load %arg7[%parallel_loop3A_166, %parallel_loop3A_167, %parallel_loop3A_168] {strides = array<i32>} : memref<2x128x64xf32, #tpu.memory_space<vmem>>, vector<1x1x16xf32>,
        %parallel_loop3A_170 = vector.shape_cast %parallel_loop3A_169 : vector<1x1x16xf32> to vector<16xf32>
        %parallel_loop3A_171 = vector.shape_cast %parallel_loop3A_164 : vector<16xf32> to vector<1x1x16xf32>
        tpu.vector_store %arg7[%parallel_loop3A_166, %parallel_loop3A_167, %parallel_loop3A_168], %parallel_loop3A_171 {strides = array<i32>} : memref<2x128x64xf32, #tpu.memory_space<vmem>>, vector<1x1x16xf32>,
        %parallel_loop3A_172 = arith.constant 1 : i32
        %parallel_loop3A_173 = arith.index_cast %parallel_loop3A_172 : i32 to index
        %parallel_loop3A_174 = arith.index_cast %parallel_loop3A_139 : i32 to index
        %parallel_loop3A_175 = arith.constant 32 : index
        %parallel_loop3A_176 = tpu.vector_load %arg6[%parallel_loop3A_173, %parallel_loop3A_174, %parallel_loop3A_175] {strides = array<i32>} : memref<2x128x64xf32, #tpu.memory_space<vmem>>, vector<1x1x16xf32>,
        %parallel_loop3A_177 = vector.shape_cast %parallel_loop3A_176 : vector<1x1x16xf32> to vector<16xf32>
        %parallel_loop3A_178 = arith.constant 8.000000e+00 : f32
        %parallel_loop3A_179 = vector.broadcast %parallel_loop3A_178 : f32 to vector<16xf32>
        %parallel_loop3A_180 = arith.mulf %parallel_loop3A_177, %parallel_loop3A_179 : vector<16xf32>
        %parallel_loop3A_181 = arith.constant 1 : i32
        %parallel_loop3A_182 = arith.index_cast %parallel_loop3A_181 : i32 to index
        %parallel_loop3A_183 = arith.index_cast %parallel_loop3A_139 : i32 to index
        %parallel_loop3A_184 = arith.constant 32 : index
        %parallel_loop3A_185 = tpu.vector_load %arg7[%parallel_loop3A_182, %parallel_loop3A_183, %parallel_loop3A_184] {strides = array<i32>} : memref<2x128x64xf32, #tpu.memory_space<vmem>>, vector<1x1x16xf32>,
        %parallel_loop3A_186 = vector.shape_cast %parallel_loop3A_185 : vector<1x1x16xf32> to vector<16xf32>
        %parallel_loop3A_187 = vector.shape_cast %parallel_loop3A_180 : vector<16xf32> to vector<1x1x16xf32>
        tpu.vector_store %arg7[%parallel_loop3A_182, %parallel_loop3A_183, %parallel_loop3A_184], %parallel_loop3A_187 {strides = array<i32>} : memref<2x128x64xf32, #tpu.memory_space<vmem>>, vector<1x1x16xf32>,
        %parallel_loop3A_188 = arith.constant 1 : i32
        %parallel_loop3A_189 = arith.index_cast %parallel_loop3A_188 : i32 to index
        %parallel_loop3A_190 = arith.index_cast %parallel_loop3A_139 : i32 to index
        %parallel_loop3A_191 = arith.constant 48 : index
        %parallel_loop3A_192 = tpu.vector_load %arg6[%parallel_loop3A_189, %parallel_loop3A_190, %parallel_loop3A_191] {strides = array<i32>} : memref<2x128x64xf32, #tpu.memory_space<vmem>>, vector<1x1x16xf32>,
        %parallel_loop3A_193 = vector.shape_cast %parallel_loop3A_192 : vector<1x1x16xf32> to vector<16xf32>
        %parallel_loop3A_194 = arith.constant 8.000000e+00 : f32
        %parallel_loop3A_195 = vector.broadcast %parallel_loop3A_194 : f32 to vector<16xf32>
        %parallel_loop3A_196 = arith.mulf %parallel_loop3A_193, %parallel_loop3A_195 : vector<16xf32>
        %parallel_loop3A_197 = arith.constant 1 : i32
        %parallel_loop3A_198 = arith.index_cast %parallel_loop3A_197 : i32 to index
        %parallel_loop3A_199 = arith.index_cast %parallel_loop3A_139 : i32 to index
        %parallel_loop3A_200 = arith.constant 48 : index
        %parallel_loop3A_201 = tpu.vector_load %arg7[%parallel_loop3A_198, %parallel_loop3A_199, %parallel_loop3A_200] {strides = array<i32>} : memref<2x128x64xf32, #tpu.memory_space<vmem>>, vector<1x1x16xf32>,
        %parallel_loop3A_202 = vector.shape_cast %parallel_loop3A_201 : vector<1x1x16xf32> to vector<16xf32>
        %parallel_loop3A_203 = vector.shape_cast %parallel_loop3A_196 : vector<16xf32> to vector<1x1x16xf32>
        tpu.vector_store %arg7[%parallel_loop3A_198, %parallel_loop3A_199, %parallel_loop3A_200], %parallel_loop3A_203 {strides = array<i32>} : memref<2x128x64xf32, #tpu.memory_space<vmem>>, vector<1x1x16xf32>,
      } {sc.loop_unroll_factor = 8 : i64, sc.parallel_access}
      %mul3A_123 = arith.constant 128 : i32
      %mul3A_124 = arith.muli %add3A_98, %mul3A_123 : i32
      %add3A_125 = arith.addi %mul3A_2, %mul3A_124 : i32
      %dma_start3A_126 = arith.constant 1 : i32
      %dma_start3A_127 = arith.constant 0 : i32
      %dma_start3A_128 = arith.constant 0 : i32
      %dma_start3A_129 = tpu.memref_slice %arg7[%dma_start3A_126, %dma_start3A_127, %dma_start3A_128] : memref<2x128x64xf32, #tpu.memory_space<vmem>> -> memref<1x128x64xf32, #tpu.memory_space<vmem>>
      %dma_start3A_130 = tpu.memref_squeeze %dma_start3A_129 : memref<1x128x64xf32, #tpu.memory_space<vmem>> -> memref<128x64xf32, #tpu.memory_space<vmem>>
      %dma_start3A_131 = arith.constant 0 : i32
      %dma_start3A_132 = tpu.memref_slice %arg4[%add3A_125, %dma_start3A_131] : memref<819200x64xf32, #tpu.memory_space<hbm>> -> memref<128x64xf32, #tpu.memory_space<hbm>>
      %dma_start3A_133 = arith.constant 0 : i32
      %dma_start3A_134 = tpu.memref_slice %arg4[%add3A_125, %dma_start3A_133] : memref<819200x64xf32, #tpu.memory_space<hbm>> -> memref<128x64xf32, #tpu.memory_space<hbm>>
      %dma_start3A_135 = arith.constant 0 : i32
      %dma_start3A_136 = arith.constant 0 : i32
      %dma_start3A_137 = tpu.memref_slice %arg7[%dma_start3A_126, %dma_start3A_135, %dma_start3A_136] : memref<2x128x64xf32, #tpu.memory_space<vmem>> -> memref<1x128x64xf32, #tpu.memory_space<vmem>>
      %dma_start3A_138 = tpu.memref_squeeze %dma_start3A_137 : memref<1x128x64xf32, #tpu.memory_space<vmem>> -> memref<128x64xf32, #tpu.memory_space<vmem>>
      tpu.enqueue_dma source(%dma_start3A_138 : memref<128x64xf32, #tpu.memory_space<vmem>>) target(%dma_start3A_134 : memref<128x64xf32, #tpu.memory_space<hbm>>) target_semaphore(%arg11 : memref<!tpu.dma_semaphore, #tpu.memory_space<semaphore_mem>>)
    }
    %scan3A_24 = arith.constant 100 : i32
    %add3A_25 = arith.constant 25344 : i32
    %add3A_26 = arith.addi %mul3A_2, %add3A_25 : i32
    %dma_wait3A_27 = arith.constant 0 : i32
    %dma_wait3A_28 = arith.constant 0 : i32
    %dma_wait3A_29 = arith.constant 0 : i32
    %dma_wait3A_30 = tpu.memref_slice %arg7[%dma_wait3A_27, %dma_wait3A_28, %dma_wait3A_29] : memref<2x128x64xf32, #tpu.memory_space<vmem>> -> memref<1x128x64xf32, #tpu.memory_space<vmem>>
    %dma_wait3A_31 = tpu.memref_squeeze %dma_wait3A_30 : memref<1x128x64xf32, #tpu.memory_space<vmem>> -> memref<128x64xf32, #tpu.memory_space<vmem>>
    %dma_wait3A_32 = arith.constant 0 : i32
    %dma_wait3A_33 = tpu.memref_slice %arg4[%add3A_26, %dma_wait3A_32] : memref<819200x64xf32, #tpu.memory_space<hbm>> -> memref<128x64xf32, #tpu.memory_space<hbm>>
    %dma_wait3A_34 = arith.constant 0 : i32
    %dma_wait3A_35 = tpu.memref_slice %arg4[%add3A_26, %dma_wait3A_34] : memref<819200x64xf32, #tpu.memory_space<hbm>> -> memref<128x64xf32, #tpu.memory_space<hbm>>
    %dma_wait3A_36 = arith.constant 0 : i32
    %dma_wait3A_37 = arith.constant 0 : i32
    %dma_wait3A_38 = tpu.memref_slice %arg7[%dma_wait3A_27, %dma_wait3A_36, %dma_wait3A_37] : memref<2x128x64xf32, #tpu.memory_space<vmem>> -> memref<1x128x64xf32, #tpu.memory_space<vmem>>
    %dma_wait3A_39 = tpu.memref_squeeze %dma_wait3A_38 : memref<1x128x64xf32, #tpu.memory_space<vmem>> -> memref<128x64xf32, #tpu.memory_space<vmem>>
    tpu.wait_dma2 semaphore(%arg10 : memref<!tpu.dma_semaphore, #tpu.memory_space<semaphore_mem>>) src(%dma_wait3A_39 : memref<128x64xf32, #tpu.memory_space<vmem>>) dst(%dma_wait3A_35 : memref<128x64xf32, #tpu.memory_space<hbm>>)
    %add3A_40 = arith.constant 25472 : i32
    %add3A_41 = arith.addi %mul3A_2, %add3A_40 : i32
    %dma_wait3A_42 = arith.constant 1 : i32
    %dma_wait3A_43 = arith.constant 0 : i32
    %dma_wait3A_44 = arith.constant 0 : i32
    %dma_wait3A_45 = tpu.memref_slice %arg7[%dma_wait3A_42, %dma_wait3A_43, %dma_wait3A_44] : memref<2x128x64xf32, #tpu.memory_space<vmem>> -> memref<1x128x64xf32, #tpu.memory_space<vmem>>
    %dma_wait3A_46 = tpu.memref_squeeze %dma_wait3A_45 : memref<1x128x64xf32, #tpu.memory_space<vmem>> -> memref<128x64xf32, #tpu.memory_space<vmem>>
    %dma_wait3A_47 = arith.constant 0 : i32
    %dma_wait3A_48 = tpu.memref_slice %arg4[%add3A_41, %dma_wait3A_47] : memref<819200x64xf32, #tpu.memory_space<hbm>> -> memref<128x64xf32, #tpu.memory_space<hbm>>
    %dma_wait3A_49 = arith.constant 0 : i32
    %dma_wait3A_50 = tpu.memref_slice %arg4[%add3A_41, %dma_wait3A_49] : memref<819200x64xf32, #tpu.memory_space<hbm>> -> memref<128x64xf32, #tpu.memory_space<hbm>>
    %dma_wait3A_51 = arith.constant 0 : i32
    %dma_wait3A_52 = arith.constant 0 : i32
    %dma_wait3A_53 = tpu.memref_slice %arg7[%dma_wait3A_42, %dma_wait3A_51, %dma_wait3A_52] : memref<2x128x64xf32, #tpu.memory_space<vmem>> -> memref<1x128x64xf32, #tpu.memory_space<vmem>>
    %dma_wait3A_54 = tpu.memref_squeeze %dma_wait3A_53 : memref<1x128x64xf32, #tpu.memory_space<vmem>> -> memref<128x64xf32, #tpu.memory_space<vmem>>
    tpu.wait_dma2 semaphore(%arg11 : memref<!tpu.dma_semaphore, #tpu.memory_space<semaphore_mem>>) src(%dma_wait3A_54 : memref<128x64xf32, #tpu.memory_space<vmem>>) dst(%dma_wait3A_50 : memref<128x64xf32, #tpu.memory_space<hbm>>)
    return
  }
}

</mosaic_0001>

<sc_bundles>
// kernel: kernel.3.cloned.1.call-start
scs
__scs_entry_jumppad:
0x0: {  	(pc) =	sbr.rel $0x88, $3  }
0x1: {  	(tag) =	ssettag $0x0;
	lr =	simm.s32 $0x1  }
0x2: {  	[smem:$0x3F9F] =	sst lr;
	_ =	strace $0xD0000000  }
0x3: {  	_ = 	snop  }
0x4: {  	_ = 	snop  }
0x5: {  	_ = 	snop  }
0x6: {  	_ = 	snop  }
0x7: {  	_ = 	snop  }
__scs_overlays_trampoline_lowered:
0x8: {  	[smem:$0x3FAE] =	sst s0  }
0x9: {  	[smem:$0x3FAF] =	sst s1  }
0xa: {  	[smem:$0x3FB0] =	sst s2  }
0xb: {  	[smem:$0x3FB1] =	sst s3  }
0xc: {  	[smem:$0x3FB2] =	sst s4  }
0xd: {  	[smem:$0x3FB3] =	sst s5  }
0xe: {  	[smem:$0x3FB4] =	sst s6  }
0xf: {  	[smem:$0x3FB5] =	sst s7  }
0x10: {  	[smem:$0x3FB6] =	sst s8  }
0x11: {  	[smem:$0x3FB7] =	sst s9;
	s0 =	simm.s32 @!p0 $0x0  }
0x12: {  	s1 =	sld [smem:$0x3F9D];
	s0 =	simm.s32 @p0 $0x1  }
0x13: {  	[smem:$0x3FB8] =	sst s0;
	s0 =	simm.s32 @!p1 $0x0  }
0x14: {  	s2 =	sld [smem:$0x3F9C];
	s0 =	simm.s32 @p1 $0x1  }
0x15: {  	[smem:$0x3FB9] =	sst s0;
	s0 =	simm.s32 @!p2 $0x0  }
0x16: {  	s3 =	sld [smem:$0x3FDB];
	s0 =	simm.s32 @p2 $0x1  }
0x17: {  	s4 =	simm.s32 $0x1BF5;
	[smem:$0x3FBB] =	sst s0  }
0x18: {  	s0 =	sld [smem:$0x3F9E];
	_ =	swait.ge [sflag:s4], $0x0  }
0x19: {  	s7 =	sld [smem:$0x3F9F]  }
0x1a: {  	s8 =	sadd.s32 $0xFFFFE003, lr  }
0x1b: {  	s9 =	sadd.s32 $0xFFFFFEF7, lr;
	s5 =	simm.s32 $0xFFFFFFFF;
	p2 =	slt.u32 s8, $0xFFFFF086  }
0x1c: {  	p1 =	slt.u32 s9, $0xF7A;
	s5 =	simm.s32 @!p2 $0x0  }
0x1d: {  	s5 =	simm.s32 @p1 $0x1;
	p0 =	seq.s32 s7, s2  }
0x1e: {  	s7 =	smul.u32 @!p0 $0xF7A, s2;
	p2 =	seq.s32 @!p0 s5, $0x0  }
0x1f: {  	s9 =	smul.u32 $0xF7A, s1;
	s8 =	simm.s32 @!p0 $0x1BF5;
	p2 =	por !p2, p0  }
0x20: {  	[sflag:s8] =	ssyncset.s32 @!p0 $0xFFFFF086;
	s6 =	sadd.s32 @!p0 s3, s7;
	s7 =	simm.s32 @!p0 $0x108  }
0x21: {  	s3 =	sadd.s32 s3, s9;
	s6 =	sadd.s32 @!p0 $0x88, s6;
	s7 =	simm.s32 @p2 $0x1082  }
0x22: {  	[simem:s7], [sflag:s8] =	dma.local @!p0 [hbm:s6], $0xF7A  }
0x23: {  	s9 =	sor.u32 $0xD0000000, s2;
	s6 =	simm.s32 $0x108;
	_ =	swait.ge @!p0 [sflag:s8], $0x0  }
0x24: {  	s3 =	sadd.s32 $0x88, s3;
	s6 =	simm.s32 @!p1 $0x1082;
	[sflag:s4] =	ssyncset.s32 $0xFFFFF086  }
0x25: {  	[simem:s6], [sflag:s4] =	dma.local [hbm:s3], $0xF7A  }
0x26: {  	[smem:$0x3F9F] =	sst s1;
	(tag) =	ssettag s2;
	_ =	strace s9  }
0x27: {  	s1 =	sld [smem:$0x3FAF]  }
0x28: {  	s2 =	sld [smem:$0x3FB0]  }
0x29: {  	s4 =	sld [smem:$0x3FB2]  }
0x2a: {  	p0 =	seq.s32 s5, $0x0;
	s5 =	sld [smem:$0x3FB3]  }
0x2b: {  	s6 =	sld [smem:$0x3FB4]  }
0x2c: {  	s7 =	sld [smem:$0x3FB5]  }
0x2d: {  	s3 =	simm.s32 $0x108;
	s8 =	sld [smem:$0x3FB6]  }
0x2e: {  	s3 =	simm.s32 @!p0 $0x1082;
	s9 =	sld [smem:$0x3FB7]  }
0x2f: {  	lr =	sadd.s32 s0, s3;
	s0 =	sld [smem:$0x3FAE]  }
0x30: {  	s3 =	sld [smem:$0x3FB1]  }
0x31: {  	[smem:$0x3FBA] =	sst s10  }
0x32: {  	s10 =	sld [smem:$0x3FB8];
	_ =	sdelay $0x3  }
0x33: {  	p0 =	seq.s32 s10, $0x1;
	s10 =	sld [smem:$0x3FBA];
	_ =	sdelay $0x3  }
0x34: {  	[smem:$0x3FBA] =	sst s10  }
0x35: {  	s10 =	sld [smem:$0x3FB9];
	_ =	sdelay $0x3  }
0x36: {  	p1 =	seq.s32 s10, $0x1;
	s10 =	sld [smem:$0x3FBA];
	_ =	sdelay $0x3  }
0x37: {  	[smem:$0x3FBA] =	sst s10  }
0x38: {  	s10 =	sld [smem:$0x3FBB]  }
0x39: {  	_ = 	snop;
	(pc) =	sbr.ind lr, $3  }
0x3a: {  	_ = 	snop  }
0x3b: {  	_ = 	snop  }
0x3c: {  	p2 =	seq.s32 s10, $0x1;
	s10 =	sld [smem:$0x3FBA]  }
0x3d: {  	_ =	shalt  }
0x3e: {  	_ =	shalt  }
0x3f: {  	_ =	shalt  }
0x40: {  	_ =	shalt  }
0x41: {  	_ =	shalt  }
0x42: {  	_ =	shalt  }
0x43: {  	_ =	shalt  }
0x44: {  	_ =	shalt  }
0x45: {  	_ =	shalt  }
0x46: {  	_ =	shalt  }
0x47: {  	_ =	shalt  }
0x48: {  	_ =	shalt  }
0x49: {  	_ =	shalt  }
0x4a: {  	_ =	shalt  }
0x4b: {  	_ =	shalt  }
0x4c: {  	_ =	shalt  }
0x4d: {  	_ =	shalt  }
0x4e: {  	_ =	shalt  }
0x4f: {  	_ =	shalt  }
0x50: {  	_ =	shalt  }
0x51: {  	_ =	shalt  }
0x52: {  	_ =	shalt  }
0x53: {  	_ =	shalt  }
0x54: {  	_ =	shalt  }
0x55: {  	_ =	shalt  }
0x56: {  	_ =	shalt  }
0x57: {  	_ =	shalt  }
0x58: {  	_ =	shalt  }
0x59: {  	_ =	shalt  }
0x5a: {  	_ =	shalt  }
0x5b: {  	_ =	shalt  }
0x5c: {  	_ =	shalt  }
0x5d: {  	_ =	shalt  }
0x5e: {  	_ =	shalt  }
0x5f: {  	_ =	shalt  }
0x60: {  	_ =	shalt  }
0x61: {  	_ =	shalt  }
0x62: {  	_ =	shalt  }
0x63: {  	_ =	shalt  }
0x64: {  	_ =	shalt  }
0x65: {  	_ =	shalt  }
0x66: {  	_ =	shalt  }
0x67: {  	_ =	shalt  }
0x68: {  	_ =	shalt  }
0x69: {  	_ =	shalt  }
0x6a: {  	_ =	shalt  }
0x6b: {  	_ =	shalt  }
0x6c: {  	_ =	shalt  }
0x6d: {  	_ =	shalt  }
0x6e: {  	_ =	shalt  }
0x6f: {  	_ =	shalt  }
0x70: {  	_ =	shalt  }
0x71: {  	_ =	shalt  }
0x72: {  	_ =	shalt  }
0x73: {  	_ =	shalt  }
0x74: {  	_ =	shalt  }
0x75: {  	_ =	shalt  }
0x76: {  	_ =	shalt  }
0x77: {  	_ =	shalt  }
0x78: {  	_ =	shalt  }
0x79: {  	_ =	shalt  }
0x7a: {  	_ =	shalt  }
0x7b: {  	_ =	shalt  }
0x7c: {  	_ =	shalt  }
0x7d: {  	_ =	shalt  }
0x7e: {  	_ =	shalt  }
0x7f: {  	_ =	shalt  }
0x80: {  	_ =	shalt  }
0x81: {  	_ =	shalt  }
0x82: {  	_ =	shalt  }
0x83: {  	_ =	shalt  }
0x84: {  	_ =	shalt  }
0x85: {  	_ =	shalt  }
0x86: {  	_ =	shalt  }
0x87: {  	_ =	shalt  }
.Lfunc_end0:
.L_simem_size_0:
called_computation.1_lowered:
.L_overlay_start_0:
0x88: {  	s2 =	sld [smem:$0x3FD9]  }
0x89: {  	s3 =	sld [smem:$0x3FFE];
	_ =	sdelay $0x1  }
0x8a: {  	s1 =	srdreg.scid  }
0x8b: {  	s0 =	sand.u32 $0x1, s1  }
0x8c: {  	s17 =	sshll.u32 s0, $0xA;
	s2 =	sadd.s32 s3, s2  }
0x8d: {  	s2 =	sadd.s32 s2, s17  }
0x8e: {  	[smem:$0x3FC6] =	sst s2  }
0x8f: {  	_ = 	snop  }
0x90: {  	s2 =	sld [smem:$0x3FD0];
	(tm) =	ssettm $0x1  }
0x91: {  	s18 =	sld [smem:$0x3FFB];
	_ =	sdelay $0x3  }
0x92: {  	_ =	strace s18  }
0x93: {  	s3 =	sld [smem:$0x3FFC];
	_ =	sdelay $0x3  }
0x94: {  	_ =	strace s3  }
0x95: {  	s3 =	sld [smem:$0x3FFD];
	_ =	sdelay $0x3  }
0x96: {  	_ =	strace s3  }
0x97: {  	_ =	strace $0x8FFFFFFF  }
0x98: {  	s19 =	sld [smem:$0x3FDB];
	_ =	sdelay $0x1  }
0x99: {  	s4 =	simm.s32 $_scs_section_size  }
0x9a: {  	s5 =	simm.s32 $_size__tile_overlayer_lowered;
	s6 =	simm.s32 $_tile_overlayer_lowered  }
0x9b: {  	s22 =	simm.s32 $0x1BFF;
	s21 =	sshll.u32 s6, $0x1;
	s3 =	sadd.s32 s4, s19  }
0x9c: {  	s7 =	simm.s32 $0x0;
	s20 =	sshll.u32 s5, $0x1;
	s5 =	sadd.s32 s21, s3  }
0x9d: {  	[timem:s7], [sflag:s22] =	dma.local [hbm:s5], s20  }
0x9e: {  	_ =	swait.ge [sflag:s22], s20  }
0x9f: {  	s4 =	ssub.s32 $0x0, s20;
	[sflag:s22] =	ssyncset.done $0x0  }
0xa0: {  	[sflag:s22] =	ssyncadd.s32 s4;
	_ =	sdelay $0x1  }
0xa1: {  	s23 =	simm.s32 $0x1B8B  }
0xa2: {  	_ =	swait.ge [sflag:s23], $0x1  }
0xa3: {  	[sflag:s23] =	ssyncset.done $0x0  }
0xa4: {  	s25 =	simm.s32 $0x1B8E;
	s24 =	sld [smem:$0x3FFE];
	[sflag:s23] =	ssyncadd.s32 $0xFFFFFFFF  }
0xa5: {  	s26 =	simm.s32 $execute0_lowered;
	[smem:$0x3FD2] =	sst s25  }
0xa6: {  	s5 =	sshll.u32 s26, $0x1;
	_ =	strace $0x80000046;
	[dreg:$0x1] =	wrdreg $0xFFFFFFFF  }
0xa7: {  	s28 =	simm.s32 $_size_execute0_lowered;
	s3 =	sadd.s32 s3, s5;
	[dreg:$0x0] =	wrdreg $0x0  }
0xa8: {  	s5 =	sshll.u32 s28, $0x1;
	[dreg:$0x2] =	wrdreg s3  }
0xa9: {  	[dreg:$0x3] =	wrdreg s5  }
0xaa: {  	[dreg:$0x4] =	wrdreg $0xC0  }
0xab: {  	_ =	task [dreg:s7], $0x5FFFF  }
0xac: {  	[dreg:$0x1] =	wrdreg $0xFFFFFFFF  }
0xad: {  	[dreg:$0x0] =	wrdreg $0x60  }
0xae: {  	[dreg:$0x2] =	wrdreg s24  }
0xaf: {  	[dreg:$0x3] =	wrdreg s2  }
0xb0: {  	[dreg:$0x4] =	wrdreg $0x9  }
0xb1: {  	_ =	task.clear_ibuf [dreg:s7], $0x5FFFF;
	_ =	strace $0x90000046  }
0xb2: {  	s29 =	simm.s32 $0x9;
	_ =	strace $0x80000048  }
0xb3: {  	_ =	swait.ge [sflag:s29], $0x1  }
0xb4: {  	[sflag:s29] =	ssyncadd.s32 $0xFFFFFFFF  }
0xb5: {  	_ =	strace $0x90000048  }
0xb6: {  	_ =	sfence  }
0xb7: {  	s30 =	sld [smem:$0x0];
	_ =	sdelay $0x2  }
0xb8: {  	s31 =	sshll.u32 s1, $0xD;
	s1 =	sshrl.u32 s1, $0x2  }
0xb9: {  	s3 =	sand.u32 $0x4000, s31;
	s1 =	sadd.s32 s1, s30  }
0xba: {  	s0 =	sor.u32 s3, s0;
	s1 =	sshll.u32 s1, $0x11  }
0xbb: {  	s0 =	sor.u32 s1, s0  }
0xbc: {  	s0 =	sadd.s32 $0x8F2B, s0  }
0xbd: {  	[sflag:s0] =	ssyncadd.remote.s32 $0x1  }
0xbe: {  	_ =	sfence.sel $0xFFFF  }
0xbf: {  	[dreg:$0x0] =	wrdreg $0xFFFFFFFF;
	(pc) =	sbr.abs _section_cstart, $3  }
0xc0: {  	[dreg:$0x1] =	wrdreg $0xFFFFFFFF  }
0xc1: {  	_ =	task.clear_ibuf [dreg:s7], $0x2FFFF;
	_ =	strace $0x9FFFFFFF  }
0xc2: {  	(tm) =	ssettm $0x7FFFFFFF  }
0xc3: {  	_ =	shalt  }
tec
execute0_lowered:
.L_overlay_start_1:
0x0: {  	(tag) =	ssettag $0x1  }
0x1: {  	s5 =	rddreg [dreg:$0x0];
	s1 =	srdreg.scid  }
0x2: {  	s0 =	stileid.u32;
	s2 =	rddreg [dreg:$0x1]  }
0x3: {  	s3 =	simm.s32 $0x0;
	s9 =	simm.s32 $0x80;
	s10 =	simm.s32 $0x6400  }
0x4: {  	s11 =	simm.s32 $0x8400;
	s12 =	simm.s32 $0x1;
	s13 =	simm.s32 $0xA400  }
0x5: {  	s14 =	simm.s32 $0x2;
	s15 =	simm.s32 $0xC400;
	s16 =	simm.s32 $0x3  }
0x6: {  	s17 =	simm.s32 $0x4;
	s4 =	sand.u32 $0x1, s1;
	s6 =	sshll.u32 s0, $0x1  }
0x7: {  	s18 =	simm.s32 $0x0;
	s1 =	rddreg [dreg:$0x2];
	s6 =	sor.u32 s4, s6  }
0x8: {  	[smem:$0x7FF] =	sst s3;
	s8 =	ssub.s32 $0x2, s4;
	s7 =	smul.u32 $0xC80, s6  }
0x9: {  	_ =	strace $0x80000047;
	s4 =	sadd.s32 $0xF42E00, s5;
	s31 =	sshrl.u32 s8, $0x1  }
0xa: {  	s6 =	smul.u32 $0x190000, s6;
	s5 =	sadd.s32 s7, s5;
	s7 =	ssub.s32 s8, s31  }
0xb: {  	s8 =	simm.s32 $0x5;
	s5 =	sadd.s32 $0xA00, s5;
	s7 =	smax.u32 s7, $0x1  }
.LBB2_1:
0xc: {  	[tilespmem:s3], [sflag:$0x5] =	stream.linear.gather [hbm4b:s5+s3], $0x6400, $0x38;
	[tilespmem:$0xE400] =	vst v63  }
0xd: {  	_ =	swait.ge [sflag:s8], $0x6400  }
0xe: {  	[sflag:s8] =	ssyncset.done $0x0  }
0xf: {  	s19 =	simm.s32 $0x0;
	[sflag:s8] =	ssyncadd.s32 $0xFFFF9C00  }
0x10: {  	[tilespmem:s10], [sflag:$0x1] =	stream.indirect.gather [hbm4b:s4+s9], $0x40, s3, s9, $0xb8;
	[tilespmem:$0xE400] =	vst v63  }
.LBB2_2:
0x11: {  	s20 =	sshll.u32 s19, $0x8  }
0x12: {  	s20 =	sand.u32 $0x3FFFFF00, s20  }
0x13: {  	s21 =	sor.u32 $0x80, s20  }
0x14: {  	[tilespmem:s11], [sflag:$0x2] =	stream.indirect.gather [hbm4b:s4+s9], $0x40, s21, s9, $0xb8;
	[tilespmem:$0xE400] =	vst v63  }
0x15: {  	_ =	swait.ge [sflag:s12], $0x2000  }
0x16: {  	p0 =	seq.s32 s19, $0x0;
	[sflag:s12] =	ssyncset.done $0x0  }
0x17: {  	s21 =	simm.s32 @!p0 $0x3;
	[sflag:s12] =	ssyncadd.s32 $0xFFFFE000  }
0x18: {  	_ =	swait.ge @!p0 [sflag:s21], $0x2000  }
0x19: {  	[sflag:s21] =	ssyncset.done @!p0 $0x0  }
0x1a: {  	s24 =	simm.s32 $0x6500;
	[sflag:s21] =	ssyncadd.s32 @!p0 $0xFFFFE000  }
0x1b: {  	v0 =	vld [tilespmem:s24+$0xC0]  }
0x1c: {  	v1 =	vld [tilespmem:s24+$0xFFFFFF40]  }
0x1d: {  	v2 =	vld [tilespmem:s24+$0xFFFFFF80]  }
0x1e: {  	v3 =	vld [tilespmem:s24+$0xFFFFFFC0]  }
0x1f: {  	v4 =	vld [tilespmem:s24+$0x0]  }
0x20: {  	v5 =	vld [tilespmem:s24+$0x40];
	v0 =	vmul.f32 $8.000000000e+00, v0  }
0x21: {  	s21 =	simm.s32 $0xA500;
	v6 =	vld [tilespmem:s24+$0x80];
	v1 =	vmul.f32 $8.000000000e+00, v1  }
0x22: {  	v7 =	vld [tilespmem:s24+$0xFFFFFF00];
	v2 =	vmul.f32 $8.000000000e+00, v2;
	[tilespmem:s21+$0xC0] =	vst v0  }
0x23: {  	[tilespmem:s21+$0xFFFFFF40] =	vst v1;
	v0 =	vmul.f32 $8.000000000e+00, v3;
	v1 =	vld [tilespmem:s24+$0xD0]  }
0x24: {  	[tilespmem:s21+$0xFFFFFF80] =	vst v2;
	v2 =	vmul.f32 $8.000000000e+00, v4;
	v3 =	vld [tilespmem:s24+$0xFFFFFF50]  }
0x25: {  	v4 =	vld [tilespmem:s24+$0xFFFFFF90];
	[tilespmem:s21+$0xFFFFFFC0] =	vst v0;
	v0 =	vmul.f32 $8.000000000e+00, v5  }
0x26: {  	[tilespmem:s21+$0x0] =	vst v2;
	v2 =	vmul.f32 $8.000000000e+00, v6;
	v5 =	vld [tilespmem:s24+$0xFFFFFFD0]  }
0x27: {  	v6 =	vmul.f32 $8.000000000e+00, v7;
	v7 =	vld [tilespmem:s24+$0x10];
	[tilespmem:s21+$0x40] =	vst v0  }
0x28: {  	[tilespmem:s21+$0x80] =	vst v2;
	v0 =	vld [tilespmem:s24+$0x50];
	v1 =	vmul.f32 $8.000000000e+00, v1  }
0x29: {  	[tilespmem:s21+$0xFFFFFF00] =	vst v6;
	v2 =	vmul.f32 $8.000000000e+00, v3;
	v3 =	vld [tilespmem:s24+$0x90]  }
0x2a: {  	v6 =	vld [tilespmem:s24+$0xFFFFFF10];
	v4 =	vmul.f32 $8.000000000e+00, v4;
	[tilespmem:s21+$0xD0] =	vst v1  }
0x2b: {  	[tilespmem:s21+$0xFFFFFF50] =	vst v2;
	v1 =	vmul.f32 $8.000000000e+00, v5;
	v2 =	vld [tilespmem:s24+$0xE0]  }
0x2c: {  	[tilespmem:s21+$0xFFFFFF90] =	vst v4;
	v4 =	vmul.f32 $8.000000000e+00, v7;
	v5 =	vld [tilespmem:s24+$0xFFFFFF60]  }
0x2d: {  	v7 =	vld [tilespmem:s24+$0xFFFFFFA0];
	[tilespmem:s21+$0xFFFFFFD0] =	vst v1;
	v0 =	vmul.f32 $8.000000000e+00, v0  }
0x2e: {  	[tilespmem:s21+$0x10] =	vst v4;
	v1 =	vld [tilespmem:s24+$0xFFFFFFE0];
	v3 =	vmul.f32 $8.000000000e+00, v3  }
0x2f: {  	v4 =	vmul.f32 $8.000000000e+00, v6;
	v6 =	vld [tilespmem:s24+$0x20];
	[tilespmem:s21+$0x50] =	vst v0  }
0x30: {  	v0 =	vld [tilespmem:s24+$0x60];
	[tilespmem:s21+$0x90] =	vst v3;
	v2 =	vmul.f32 $8.000000000e+00, v2  }
0x31: {  	[tilespmem:s21+$0xFFFFFF10] =	vst v4;
	v3 =	vmul.f32 $8.000000000e+00, v5;
	v4 =	vld [tilespmem:s24+$0xA0]  }
0x32: {  	v5 =	vld [tilespmem:s24+$0xFFFFFF20];
	v7 =	vmul.f32 $8.000000000e+00, v7;
	[tilespmem:s21+$0xE0] =	vst v2  }
0x33: {  	[tilespmem:s21+$0xFFFFFF60] =	vst v3;
	v1 =	vmul.f32 $8.000000000e+00, v1;
	v3 =	vld [tilespmem:s24+$0xF0]  }
0x34: {  	[tilespmem:s21+$0xFFFFFFA0] =	vst v7;
	v2 =	vmul.f32 $8.000000000e+00, v6;
	v8 =	vld [tilespmem:s24+$0xFFFFFF70]  }
0x35: {  	v7 =	vld [tilespmem:s24+$0xFFFFFFB0];
	[tilespmem:s21+$0xFFFFFFE0] =	vst v1;
	v1 =	vmul.f32 $8.000000000e+00, v0  }
0x36: {  	[tilespmem:s21+$0x20] =	vst v2;
	v0 =	vld [tilespmem:s24+$0xFFFFFFF0];
	v4 =	vmul.f32 $8.000000000e+00, v4  }
0x37: {  	v5 =	vmul.f32 $8.000000000e+00, v5;
	v2 =	vld [tilespmem:s24+$0x30];
	[tilespmem:s21+$0x60] =	vst v1  }
0x38: {  	v1 =	vld [tilespmem:s24+$0x70];
	[tilespmem:s21+$0xA0] =	vst v4;
	v9 =	vmul.f32 $8.000000000e+00, v3  }
0x39: {  	[tilespmem:s21+$0xFFFFFF20] =	vst v5;
	v3 =	vld [tilespmem:s24+$0xB0];
	v6 =	vmul.f32 $8.000000000e+00, v8  }
0x3a: {  	s22 =	sshll.u32 s19, $0x1;
	s23 =	simm.s32 $0x0;
	v4 =	vld [tilespmem:s24+$0xFFFFFF30];
	v5 =	vmul.f32 $8.000000000e+00, v7;
	s24 =	simm.s32 $0x6700;
	[tilespmem:s21+$0xF0] =	vst v9  }
.LBB2_3:
0x3b: {  	v7 =	vld [tilespmem:s24+$0xC0];
	s23 =	sadd.s32 $0x8, s23;
	[tilespmem:s21+$0xFFFFFF70] =	vst v6;
	v0 =	vmul.f32 $8.000000000e+00, v0  }
0x3c: {  	v6 =	vld [tilespmem:s24+$0xFFFFFF40];
	p1 =	slt.u32 s23, $0x78;
	[tilespmem:s21+$0xFFFFFFB0] =	vst v5;
	v2 =	vmul.f32 $8.000000000e+00, v2  }
0x3d: {  	v5 =	vld [tilespmem:s24+$0xFFFFFF80];
	[tilespmem:s21+$0xFFFFFFF0] =	vst v0;
	v0 =	vmul.f32 $8.000000000e+00, v1  }
0x3e: {  	v1 =	vld [tilespmem:s24+$0xFFFFFFC0];
	[tilespmem:s21+$0x30] =	vst v2;
	v2 =	vmul.f32 $8.000000000e+00, v3  }
0x3f: {  	v3 =	vld [tilespmem:s24+$0x0];
	v4 =	vmul.f32 $8.000000000e+00, v4;
	[tilespmem:s21+$0x70] =	vst v0  }
0x40: {  	v0 =	vld [tilespmem:s24+$0x40];
	v7 =	vmul.f32 $8.000000000e+00, v7;
	[tilespmem:s21+$0xB0] =	vst v2  }
0x41: {  	v2 =	vmul.f32 $8.000000000e+00, v6;
	v6 =	vld [tilespmem:s24+$0x80];
	[tilespmem:s21+$0xFFFFFF30] =	vst v4;
	s21 =	sadd.s32 $0x200, s21  }
0x42: {  	v4 =	vld [tilespmem:s24+$0xFFFFFF00];
	v5 =	vmul.f32 $8.000000000e+00, v5;
	[tilespmem:s21+$0xC0] =	vst v7  }
0x43: {  	[tilespmem:s21+$0xFFFFFF40] =	vst v2;
	v1 =	vmul.f32 $8.000000000e+00, v1;
	v2 =	vld [tilespmem:s24+$0xD0]  }
0x44: {  	v7 =	vld [tilespmem:s24+$0xFFFFFF50];
	[tilespmem:s21+$0xFFFFFF80] =	vst v5;
	v3 =	vmul.f32 $8.000000000e+00, v3  }
0x45: {  	v5 =	vld [tilespmem:s24+$0xFFFFFF90];
	[tilespmem:s21+$0xFFFFFFC0] =	vst v1;
	v0 =	vmul.f32 $8.000000000e+00, v0  }
0x46: {  	v1 =	vld [tilespmem:s24+$0xFFFFFFD0];
	[tilespmem:s21+$0x0] =	vst v3;
	v3 =	vmul.f32 $8.000000000e+00, v6  }
0x47: {  	v4 =	vmul.f32 $8.000000000e+00, v4;
	v6 =	vld [tilespmem:s24+$0x10];
	[tilespmem:s21+$0x40] =	vst v0  }
0x48: {  	v0 =	vld [tilespmem:s24+$0x50];
	[tilespmem:s21+$0x80] =	vst v3;
	v2 =	vmul.f32 $8.000000000e+00, v2  }
0x49: {  	[tilespmem:s21+$0xFFFFFF00] =	vst v4;
	v3 =	vmul.f32 $8.000000000e+00, v7;
	v4 =	vld [tilespmem:s24+$0x90]  }
0x4a: {  	v7 =	vld [tilespmem:s24+$0xFFFFFF10];
	v5 =	vmul.f32 $8.000000000e+00, v5;
	[tilespmem:s21+$0xD0] =	vst v2  }
0x4b: {  	[tilespmem:s21+$0xFFFFFF50] =	vst v3;
	v1 =	vmul.f32 $8.000000000e+00, v1;
	v2 =	vld [tilespmem:s24+$0xE0]  }
0x4c: {  	v3 =	vld [tilespmem:s24+$0xFFFFFF60];
	[tilespmem:s21+$0xFFFFFF90] =	vst v5;
	v5 =	vmul.f32 $8.000000000e+00, v6  }
0x4d: {  	v6 =	vld [tilespmem:s24+$0xFFFFFFA0];
	[tilespmem:s21+$0xFFFFFFD0] =	vst v1;
	v0 =	vmul.f32 $8.000000000e+00, v0  }
0x4e: {  	v1 =	vld [tilespmem:s24+$0xFFFFFFE0];
	[tilespmem:s21+$0x10] =	vst v5;
	v4 =	vmul.f32 $8.000000000e+00, v4  }
0x4f: {  	v5 =	vmul.f32 $8.000000000e+00, v7;
	v7 =	vld [tilespmem:s24+$0x20];
	[tilespmem:s21+$0x50] =	vst v0  }
0x50: {  	v0 =	vld [tilespmem:s24+$0x60];
	[tilespmem:s21+$0x90] =	vst v4;
	v2 =	vmul.f32 $8.000000000e+00, v2  }
0x51: {  	[tilespmem:s21+$0xFFFFFF10] =	vst v5;
	v3 =	vmul.f32 $8.000000000e+00, v3;
	v4 =	vld [tilespmem:s24+$0xA0]  }
0x52: {  	v5 =	vld [tilespmem:s24+$0xFFFFFF20];
	v6 =	vmul.f32 $8.000000000e+00, v6;
	[tilespmem:s21+$0xE0] =	vst v2  }
0x53: {  	[tilespmem:s21+$0xFFFFFF60] =	vst v3;
	v1 =	vmul.f32 $8.000000000e+00, v1;
	v3 =	vld [tilespmem:s24+$0xF0]  }
0x54: {  	v8 =	vld [tilespmem:s24+$0xFFFFFF70];
	[tilespmem:s21+$0xFFFFFFA0] =	vst v6;
	v2 =	vmul.f32 $8.000000000e+00, v7  }
0x55: {  	v7 =	vld [tilespmem:s24+$0xFFFFFFB0];
	[tilespmem:s21+$0xFFFFFFE0] =	vst v1;
	v1 =	vmul.f32 $8.000000000e+00, v0  }
.Ltmp0:
0x56: {  	v0 =	vld [tilespmem:s24+$0xFFFFFFF0];
	[tilespmem:s21+$0x20] =	vst v2;
	v4 =	vmul.f32 $8.000000000e+00, v4;
	(pc) =	sbr.rel @p1 .LBB2_3-.Ltmp0, $4  }
0x57: {  	v5 =	vmul.f32 $8.000000000e+00, v5;
	v2 =	vld [tilespmem:s24+$0x30];
	[tilespmem:s21+$0x60] =	vst v1  }
0x58: {  	v1 =	vld [tilespmem:s24+$0x70];
	[tilespmem:s21+$0xA0] =	vst v4;
	v9 =	vmul.f32 $8.000000000e+00, v3  }
0x59: {  	[tilespmem:s21+$0xFFFFFF20] =	vst v5;
	v6 =	vmul.f32 $8.000000000e+00, v8;
	v3 =	vld [tilespmem:s24+$0xB0]  }
0x5a: {  	v4 =	vld [tilespmem:s24+$0xFFFFFF30];
	v5 =	vmul.f32 $8.000000000e+00, v7;
	[tilespmem:s21+$0xF0] =	vst v9;
	s24 =	sadd.s32 $0x200, s24  }
0x5b: {  	[tilespmem:s21+$0xFFFFFF70] =	vst v6;
	v0 =	vmul.f32 $8.000000000e+00, v0  }
0x5c: {  	[tilespmem:s21+$0xFFFFFFB0] =	vst v5;
	v2 =	vmul.f32 $8.000000000e+00, v2  }
0x5d: {  	[tilespmem:s21+$0xFFFFFFF0] =	vst v0;
	v0 =	vmul.f32 $8.000000000e+00, v1  }
0x5e: {  	s23 =	sshll.u32 s19, $0xE;
	[tilespmem:s21+$0x30] =	vst v2;
	v1 =	vmul.f32 $8.000000000e+00, v3  }
0x5f: {  	s23 =	sadd.s32 s6, s23;
	v2 =	vmul.f32 $8.000000000e+00, v4;
	[tilespmem:s21+$0x70] =	vst v0  }
0x60: {  	s23 =	sshrl.u32 s23, $0x3;
	[tilespmem:s21+$0xB0] =	vst v1  }
0x61: {  	s30 =	sadd.s32 s2, s23;
	[tilespmem:s21+$0xFFFFFF30] =	vst v2;
	s21 =	sor.u32 $0x1, s22  }
0x62: {  	[hbm4b:s30+s3] =	stream.linear.scatter [tilespmem:s13], [sflag:$0x3], $0x2000, $0x38;
	[tilespmem:$0xE400] =	vst v63  }
0x63: {  	p1 =	sgt.u32 s21, $0xC6  }
0x64: {  	s20 =	sadd.s32 @!p1 $0x100, s20;
	s22 =	simm.s32 @!p1 $0x80;
	s23 =	simm.s32 @!p1 $0x6400  }
0x65: {  	[tilespmem:s23], [sflag:$0x1] =	stream.indirect.gather @!p1 [hbm4b:s4+s22], $0x40, s20, s22, $0xb8;
	[tilespmem:$0xE400] =	vst v63  }
0x66: {  	_ =	swait.ge [sflag:s14], $0x2000  }
0x67: {  	[sflag:s14] =	ssyncset.done $0x0  }
0x68: {  	s20 =	simm.s32 @!p0 $0x4;
	[sflag:s14] =	ssyncadd.s32 $0xFFFFE000  }
0x69: {  	_ =	swait.ge @!p0 [sflag:s20], $0x2000  }
0x6a: {  	[sflag:s20] =	ssyncset.done @!p0 $0x0  }
0x6b: {  	s31 =	simm.s32 $0x85F0;
	[sflag:s20] =	ssyncadd.s32 @!p0 $0xFFFFE000  }
0x6c: {  	v0 =	vld [tilespmem:s31+$0xFFFFFFD0]  }
0x6d: {  	v1 =	vld [tilespmem:s31+$0xFFFFFE50]  }
0x6e: {  	v2 =	vld [tilespmem:s31+$0xFFFFFE90]  }
0x6f: {  	v3 =	vld [tilespmem:s31+$0xFFFFFED0]  }
0x70: {  	v4 =	vld [tilespmem:s31+$0xFFFFFF10]  }
0x71: {  	v5 =	vld [tilespmem:s31+$0xFFFFFF50];
	v0 =	vmul.f32 $8.000000000e+00, v0  }
0x72: {  	s20 =	simm.s32 $0xC5F0;
	v6 =	vld [tilespmem:s31+$0xFFFFFF90];
	v1 =	vmul.f32 $8.000000000e+00, v1  }
0x73: {  	v7 =	vld [tilespmem:s31+$0xFFFFFE10];
	v2 =	vmul.f32 $8.000000000e+00, v2;
	[tilespmem:s20+$0xFFFFFFD0] =	vst v0  }
0x74: {  	[tilespmem:s20+$0xFFFFFE50] =	vst v1;
	v0 =	vmul.f32 $8.000000000e+00, v3;
	v1 =	vld [tilespmem:s31+$0xFFFFFFE0]  }
0x75: {  	[tilespmem:s20+$0xFFFFFE90] =	vst v2;
	v2 =	vmul.f32 $8.000000000e+00, v4;
	v3 =	vld [tilespmem:s31+$0xFFFFFE60]  }
0x76: {  	v4 =	vld [tilespmem:s31+$0xFFFFFEA0];
	[tilespmem:s20+$0xFFFFFED0] =	vst v0;
	v0 =	vmul.f32 $8.000000000e+00, v5  }
0x77: {  	[tilespmem:s20+$0xFFFFFF10] =	vst v2;
	v2 =	vmul.f32 $8.000000000e+00, v6;
	v5 =	vld [tilespmem:s31+$0xFFFFFEE0]  }
0x78: {  	v6 =	vmul.f32 $8.000000000e+00, v7;
	v7 =	vld [tilespmem:s31+$0xFFFFFF20];
	[tilespmem:s20+$0xFFFFFF50] =	vst v0  }
0x79: {  	[tilespmem:s20+$0xFFFFFF90] =	vst v2;
	v0 =	vld [tilespmem:s31+$0xFFFFFF60];
	v1 =	vmul.f32 $8.000000000e+00, v1  }
0x7a: {  	[tilespmem:s20+$0xFFFFFE10] =	vst v6;
	v2 =	vmul.f32 $8.000000000e+00, v3;
	v3 =	vld [tilespmem:s31+$0xFFFFFFA0]  }
0x7b: {  	v6 =	vld [tilespmem:s31+$0xFFFFFE20];
	v4 =	vmul.f32 $8.000000000e+00, v4;
	[tilespmem:s20+$0xFFFFFFE0] =	vst v1  }
0x7c: {  	[tilespmem:s20+$0xFFFFFE60] =	vst v2;
	v1 =	vmul.f32 $8.000000000e+00, v5;
	v2 =	vld [tilespmem:s31+$0xFFFFFFF0]  }
0x7d: {  	[tilespmem:s20+$0xFFFFFEA0] =	vst v4;
	v4 =	vmul.f32 $8.000000000e+00, v7;
	v5 =	vld [tilespmem:s31+$0xFFFFFE70]  }
0x7e: {  	v7 =	vld [tilespmem:s31+$0xFFFFFEB0];
	[tilespmem:s20+$0xFFFFFEE0] =	vst v1;
	v0 =	vmul.f32 $8.000000000e+00, v0  }
0x7f: {  	[tilespmem:s20+$0xFFFFFF20] =	vst v4;
	v1 =	vld [tilespmem:s31+$0xFFFFFEF0];
	v3 =	vmul.f32 $8.000000000e+00, v3  }
0x80: {  	v4 =	vmul.f32 $8.000000000e+00, v6;
	v6 =	vld [tilespmem:s31+$0xFFFFFF30];
	[tilespmem:s20+$0xFFFFFF60] =	vst v0  }
0x81: {  	v0 =	vld [tilespmem:s31+$0xFFFFFF70];
	[tilespmem:s20+$0xFFFFFFA0] =	vst v3;
	v2 =	vmul.f32 $8.000000000e+00, v2  }
0x82: {  	[tilespmem:s20+$0xFFFFFE20] =	vst v4;
	v3 =	vmul.f32 $8.000000000e+00, v5;
	v4 =	vld [tilespmem:s31+$0xFFFFFFB0]  }
0x83: {  	v5 =	vld [tilespmem:s31+$0xFFFFFE30];
	v7 =	vmul.f32 $8.000000000e+00, v7;
	[tilespmem:s20+$0xFFFFFFF0] =	vst v2  }
0x84: {  	[tilespmem:s20+$0xFFFFFE70] =	vst v3;
	v1 =	vmul.f32 $8.000000000e+00, v1;
	v3 =	vld [tilespmem:s31+$0x0]  }
0x85: {  	[tilespmem:s20+$0xFFFFFEB0] =	vst v7;
	v2 =	vmul.f32 $8.000000000e+00, v6;
	v8 =	vld [tilespmem:s31+$0xFFFFFE80]  }
0x86: {  	v7 =	vld [tilespmem:s31+$0xFFFFFEC0];
	[tilespmem:s20+$0xFFFFFEF0] =	vst v1;
	v1 =	vmul.f32 $8.000000000e+00, v0  }
0x87: {  	[tilespmem:s20+$0xFFFFFF30] =	vst v2;
	v0 =	vld [tilespmem:s31+$0xFFFFFF00];
	v4 =	vmul.f32 $8.000000000e+00, v4  }
0x88: {  	v5 =	vmul.f32 $8.000000000e+00, v5;
	v2 =	vld [tilespmem:s31+$0xFFFFFF40];
	[tilespmem:s20+$0xFFFFFF70] =	vst v1  }
0x89: {  	v1 =	vld [tilespmem:s31+$0xFFFFFF80];
	[tilespmem:s20+$0xFFFFFFB0] =	vst v4;
	v9 =	vmul.f32 $8.000000000e+00, v3  }
0x8a: {  	[tilespmem:s20+$0xFFFFFE30] =	vst v5;
	v3 =	vld [tilespmem:s31+$0xFFFFFFC0];
	v6 =	vmul.f32 $8.000000000e+00, v8  }
0x8b: {  	s22 =	simm.s32 $0x0;
	s23 =	simm.s32 $0x87F0;
	v4 =	vld [tilespmem:s31+$0xFFFFFE40];
	v5 =	vmul.f32 $8.000000000e+00, v7;
	[tilespmem:s20+$0x0] =	vst v9  }
.LBB2_5:
0x8c: {  	v7 =	vld [tilespmem:s23+$0xFFFFFFD0];
	s22 =	sadd.s32 $0x8, s22;
	[tilespmem:s20+$0xFFFFFE80] =	vst v6;
	v0 =	vmul.f32 $8.000000000e+00, v0  }
0x8d: {  	v6 =	vld [tilespmem:s23+$0xFFFFFE50];
	p0 =	slt.u32 s22, $0x78;
	[tilespmem:s20+$0xFFFFFEC0] =	vst v5;
	v2 =	vmul.f32 $8.000000000e+00, v2  }
0x8e: {  	v5 =	vld [tilespmem:s23+$0xFFFFFE90];
	[tilespmem:s20+$0xFFFFFF00] =	vst v0;
	v0 =	vmul.f32 $8.000000000e+00, v1  }
0x8f: {  	v1 =	vld [tilespmem:s23+$0xFFFFFED0];
	[tilespmem:s20+$0xFFFFFF40] =	vst v2;
	v2 =	vmul.f32 $8.000000000e+00, v3  }
0x90: {  	v3 =	vld [tilespmem:s23+$0xFFFFFF10];
	v4 =	vmul.f32 $8.000000000e+00, v4;
	[tilespmem:s20+$0xFFFFFF80] =	vst v0  }
0x91: {  	v0 =	vld [tilespmem:s23+$0xFFFFFF50];
	v7 =	vmul.f32 $8.000000000e+00, v7;
	[tilespmem:s20+$0xFFFFFFC0] =	vst v2  }
0x92: {  	v2 =	vmul.f32 $8.000000000e+00, v6;
	v6 =	vld [tilespmem:s23+$0xFFFFFF90];
	[tilespmem:s20+$0xFFFFFE40] =	vst v4;
	s20 =	sadd.s32 $0x200, s20  }
0x93: {  	v4 =	vld [tilespmem:s23+$0xFFFFFE10];
	v5 =	vmul.f32 $8.000000000e+00, v5;
	[tilespmem:s20+$0xFFFFFFD0] =	vst v7  }
0x94: {  	[tilespmem:s20+$0xFFFFFE50] =	vst v2;
	v1 =	vmul.f32 $8.000000000e+00, v1;
	v2 =	vld [tilespmem:s23+$0xFFFFFFE0]  }
0x95: {  	v7 =	vld [tilespmem:s23+$0xFFFFFE60];
	[tilespmem:s20+$0xFFFFFE90] =	vst v5;
	v3 =	vmul.f32 $8.000000000e+00, v3  }
0x96: {  	v5 =	vld [tilespmem:s23+$0xFFFFFEA0];
	[tilespmem:s20+$0xFFFFFED0] =	vst v1;
	v0 =	vmul.f32 $8.000000000e+00, v0  }
0x97: {  	v1 =	vld [tilespmem:s23+$0xFFFFFEE0];
	[tilespmem:s20+$0xFFFFFF10] =	vst v3;
	v3 =	vmul.f32 $8.000000000e+00, v6  }
0x98: {  	v4 =	vmul.f32 $8.000000000e+00, v4;
	v6 =	vld [tilespmem:s23+$0xFFFFFF20];
	[tilespmem:s20+$0xFFFFFF50] =	vst v0  }
0x99: {  	v0 =	vld [tilespmem:s23+$0xFFFFFF60];
	[tilespmem:s20+$0xFFFFFF90] =	vst v3;
	v2 =	vmul.f32 $8.000000000e+00, v2  }
0x9a: {  	[tilespmem:s20+$0xFFFFFE10] =	vst v4;
	v3 =	vmul.f32 $8.000000000e+00, v7;
	v4 =	vld [tilespmem:s23+$0xFFFFFFA0]  }
0x9b: {  	v7 =	vld [tilespmem:s23+$0xFFFFFE20];
	v5 =	vmul.f32 $8.000000000e+00, v5;
	[tilespmem:s20+$0xFFFFFFE0] =	vst v2  }
0x9c: {  	[tilespmem:s20+$0xFFFFFE60] =	vst v3;
	v1 =	vmul.f32 $8.000000000e+00, v1;
	v2 =	vld [tilespmem:s23+$0xFFFFFFF0]  }
0x9d: {  	v3 =	vld [tilespmem:s23+$0xFFFFFE70];
	[tilespmem:s20+$0xFFFFFEA0] =	vst v5;
	v5 =	vmul.f32 $8.000000000e+00, v6  }
0x9e: {  	v6 =	vld [tilespmem:s23+$0xFFFFFEB0];
	[tilespmem:s20+$0xFFFFFEE0] =	vst v1;
	v0 =	vmul.f32 $8.000000000e+00, v0  }
0x9f: {  	v1 =	vld [tilespmem:s23+$0xFFFFFEF0];
	[tilespmem:s20+$0xFFFFFF20] =	vst v5;
	v4 =	vmul.f32 $8.000000000e+00, v4  }
0xa0: {  	v5 =	vmul.f32 $8.000000000e+00, v7;
	v7 =	vld [tilespmem:s23+$0xFFFFFF30];
	[tilespmem:s20+$0xFFFFFF60] =	vst v0  }
0xa1: {  	v0 =	vld [tilespmem:s23+$0xFFFFFF70];
	[tilespmem:s20+$0xFFFFFFA0] =	vst v4;
	v2 =	vmul.f32 $8.000000000e+00, v2  }
0xa2: {  	[tilespmem:s20+$0xFFFFFE20] =	vst v5;
	v3 =	vmul.f32 $8.000000000e+00, v3;
	v4 =	vld [tilespmem:s23+$0xFFFFFFB0]  }
0xa3: {  	v5 =	vld [tilespmem:s23+$0xFFFFFE30];
	v6 =	vmul.f32 $8.000000000e+00, v6;
	[tilespmem:s20+$0xFFFFFFF0] =	vst v2  }
0xa4: {  	[tilespmem:s20+$0xFFFFFE70] =	vst v3;
	v1 =	vmul.f32 $8.000000000e+00, v1;
	v3 =	vld [tilespmem:s23+$0x0]  }
0xa5: {  	v8 =	vld [tilespmem:s23+$0xFFFFFE80];
	[tilespmem:s20+$0xFFFFFEB0] =	vst v6;
	v2 =	vmul.f32 $8.000000000e+00, v7  }
0xa6: {  	v7 =	vld [tilespmem:s23+$0xFFFFFEC0];
	[tilespmem:s20+$0xFFFFFEF0] =	vst v1;
	v1 =	vmul.f32 $8.000000000e+00, v0  }
.Ltmp1:
0xa7: {  	v0 =	vld [tilespmem:s23+$0xFFFFFF00];
	[tilespmem:s20+$0xFFFFFF30] =	vst v2;
	v4 =	vmul.f32 $8.000000000e+00, v4;
	(pc) =	sbr.rel @p0 .LBB2_5-.Ltmp1, $4  }
0xa8: {  	v5 =	vmul.f32 $8.000000000e+00, v5;
	v2 =	vld [tilespmem:s23+$0xFFFFFF40];
	[tilespmem:s20+$0xFFFFFF70] =	vst v1  }
0xa9: {  	v1 =	vld [tilespmem:s23+$0xFFFFFF80];
	[tilespmem:s20+$0xFFFFFFB0] =	vst v4;
	v9 =	vmul.f32 $8.000000000e+00, v3  }
0xaa: {  	[tilespmem:s20+$0xFFFFFE30] =	vst v5;
	v6 =	vmul.f32 $8.000000000e+00, v8;
	v3 =	vld [tilespmem:s23+$0xFFFFFFC0]  }
0xab: {  	v4 =	vld [tilespmem:s23+$0xFFFFFE40];
	v5 =	vmul.f32 $8.000000000e+00, v7;
	[tilespmem:s20+$0x0] =	vst v9;
	s23 =	sadd.s32 $0x200, s23  }
0xac: {  	[tilespmem:s20+$0xFFFFFE80] =	vst v6;
	v0 =	vmul.f32 $8.000000000e+00, v0  }
0xad: {  	s19 =	sadd.s32 $0x1, s19;
	[tilespmem:s20+$0xFFFFFEC0] =	vst v5;
	v2 =	vmul.f32 $8.000000000e+00, v2  }
0xae: {  	p0 =	sne.s32 s19, $0x64;
	[tilespmem:s20+$0xFFFFFF00] =	vst v0;
	v61 =	vmul.f32 $8.000000000e+00, v1  }
.Ltmp2:
0xaf: {  	s21 =	sshll.u32 s21, $0xD;
	[tilespmem:s20+$0xFFFFFF40] =	vst v2;
	v62 =	vmul.f32 $8.000000000e+00, v3;
	(pc) =	sbr.rel @p0 .LBB2_2-.Ltmp2, $4  }
0xb0: {  	s21 =	sadd.s32 s6, s21;
	v63 =	vmul.f32 $8.000000000e+00, v4;
	[tilespmem:s20+$0xFFFFFF80] =	vst v61  }
0xb1: {  	s21 =	sshrl.u32 s21, $0x3;
	[tilespmem:s20+$0xFFFFFFC0] =	vst v62  }
0xb2: {  	s31 =	sadd.s32 s2, s21;
	[tilespmem:s20+$0xFFFFFE40] =	vst v63  }
0xb3: {  	[hbm4b:s31+s3] =	stream.linear.scatter [tilespmem:s15], [sflag:$0x4], $0x2000, $0x38;
	[tilespmem:$0xE400] =	vst v63  }
0xb4: {  	s18 =	sadd.s32 $0x1, s18  }
0xb5: {  	_ =	swait.ge [sflag:s16], $0x2000;
	p0 =	sne.s32 s18, s7  }
.Ltmp3:
0xb6: {  	[sflag:s16] =	ssyncset.done $0x0;
	(pc) =	sbr.rel @p0 .LBB2_1-.Ltmp3, $4  }
0xb7: {  	[sflag:s16] =	ssyncadd.s32 $0xFFFFE000  }
0xb8: {  	_ =	swait.ge [sflag:s17], $0x2000  }
0xb9: {  	[sflag:s17] =	ssyncset.done $0x0  }
0xba: {  	[sflag:s17] =	ssyncadd.s32 $0xFFFFE000  }
0xbb: {  	_ =	sfence.sel $0x180000  }
0xbc: {  	[bflag:$0x0] =	sbarrier.arrive $0xFFFF  }
0xbd: {  	p0 =	sne.s32 s0, $0x0;
	_ =	strace $0x90000047  }
0xbe: {  	s0 =	sadd.s32 @!p0 $0x100000, s1;
	[bflag:$0x2] =	sbarrier.arrive $0xFFFF  }
0xbf: {  	[sflag:s0] =	ssyncadd.tile.s32 @!p0 $0x1;
	_ =	shalt  }
.Lfunc_end2:
_tile_overlayer_lowered:
.L_overlay_start_2:
0xc0: {  	(tag) =	ssettag $0x2  }
0xc1: {  	s0 =	rddreg [dreg:$0x0];
	s2 =	stileid.u32  }
0xc2: {  	s1 =	rddreg [dreg:$0x1];
	p0 =	sne.s32 s2, $0x0  }
0xc3: {  	s3 =	rddreg [dreg:$0x2];
	[bflag:$0x3] =	sbarrier.arrive $0xFFFF;
	s2 =	simm.s32 @!p0 $0x1C06  }
0xc4: {  	[timem:s3], [sflag:s2] =	dma.local @!p0 [hbm:s0], s1  }
0xc5: {  	s0 =	simm.s32 @!p0 $0x6  }
0xc6: {  	_ =	swait.ge @!p0 [sflag:s0], s1  }
0xc7: {  	s1 =	ssub.s32 @!p0 $0x0, s1;
	[sflag:s0] =	ssyncset.done @!p0 $0x0  }
0xc8: {  	[sflag:s0] =	ssyncadd.s32 @!p0 s1  }
0xc9: {  	[bflag:$0x3] =	sbarrier.arrive $0xFFFF  }
0xca: {  	_ =	shalt  }

// kernel: sparse-core-data-format-call.cloned.1.call-start
scs
called_computation_lowered:
.L_overlay_start_0:
0x0: {  	s2 =	sld [smem:$0x3FD9]  }
0x1: {  	s3 =	sld [smem:$0x3FFE];
	_ =	sdelay $0x1  }
0x2: {  	s1 =	srdreg.scid  }
0x3: {  	s0 =	sand.u32 $0x1, s1  }
0x4: {  	s18 =	sshll.u32 s0, $0xA;
	s2 =	sadd.s32 s3, s2  }
0x5: {  	s2 =	sadd.s32 s2, s18  }
0x6: {  	[smem:$0x3FC6] =	sst s2  }
0x7: {  	_ = 	snop  }
0x8: {  	s2 =	sld [smem:$0x3FD0];
	(tm) =	ssettm $0x1  }
0x9: {  	s19 =	sld [smem:$0x3FFB];
	_ =	sdelay $0x3  }
0xa: {  	_ =	strace s19  }
0xb: {  	s3 =	sld [smem:$0x3FFC];
	_ =	sdelay $0x3  }
0xc: {  	_ =	strace s3  }
0xd: {  	s3 =	sld [smem:$0x3FFD];
	_ =	sdelay $0x3  }
0xe: {  	_ =	strace s3  }
0xf: {  	_ =	strace $0x8FFFFFFF  }
0x10: {  	s20 =	sld [smem:$0x3FDB];
	_ =	sdelay $0x1  }
0x11: {  	s4 =	simm.s32 $_scs_section_size  }
0x12: {  	s5 =	simm.s32 $_size__tile_overlayer_lowered;
	s6 =	simm.s32 $_tile_overlayer_lowered  }
0x13: {  	s23 =	simm.s32 $0x1BFF;
	s22 =	sshll.u32 s6, $0x1;
	s3 =	sadd.s32 s4, s20  }
0x14: {  	s7 =	simm.s32 $0x0;
	s21 =	sshll.u32 s5, $0x1;
	s5 =	sadd.s32 s22, s3  }
0x15: {  	[timem:s7], [sflag:s23] =	dma.local [hbm:s5], s21  }
0x16: {  	_ =	swait.ge [sflag:s23], s21  }
0x17: {  	s4 =	ssub.s32 $0x0, s21;
	[sflag:s23] =	ssyncset.done $0x0  }
0x18: {  	[sflag:s23] =	ssyncadd.s32 s4;
	_ =	sdelay $0x1  }
0x19: {  	s24 =	simm.s32 $0x1B8B  }
0x1a: {  	_ =	swait.ge [sflag:s24], $0x1  }
0x1b: {  	[sflag:s24] =	ssyncset.done $0x0  }
0x1c: {  	s26 =	simm.s32 $0x1B8E;
	s25 =	sld [smem:$0x3FFE];
	[sflag:s24] =	ssyncadd.s32 $0xFFFFFFFF  }
0x1d: {  	s27 =	simm.s32 $execute0_lowered;
	[smem:$0x3FD2] =	sst s26  }
0x1e: {  	s5 =	sshll.u32 s27, $0x1;
	_ =	strace $0x80000049;
	[dreg:$0x1] =	wrdreg $0xFFFFFFFF  }
0x1f: {  	s28 =	simm.s32 $_size_execute0_lowered;
	s3 =	sadd.s32 s3, s5;
	[dreg:$0x0] =	wrdreg $0x0  }
0x20: {  	s5 =	sshll.u32 s28, $0x1;
	[dreg:$0x2] =	wrdreg s3  }
0x21: {  	[dreg:$0x3] =	wrdreg s5  }
0x22: {  	[dreg:$0x4] =	wrdreg $0xC0  }
0x23: {  	_ =	task [dreg:s7], $0x5FFFF  }
0x24: {  	[dreg:$0x1] =	wrdreg $0xFFFFFFFF  }
0x25: {  	[dreg:$0x0] =	wrdreg $0x60  }
0x26: {  	[dreg:$0x2] =	wrdreg s25  }
0x27: {  	[dreg:$0x3] =	wrdreg s2  }
0x28: {  	[dreg:$0x4] =	wrdreg $0x9  }
0x29: {  	_ =	task.clear_ibuf [dreg:s7], $0x5FFFF;
	_ =	strace $0x90000049  }
0x2a: {  	s29 =	simm.s32 $0x9;
	_ =	strace $0x8000004B  }
0x2b: {  	_ =	swait.ge [sflag:s29], $0x1  }
0x2c: {  	[sflag:s29] =	ssyncadd.s32 $0xFFFFFFFF  }
0x2d: {  	_ =	strace $0x9000004B  }
0x2e: {  	_ =	sfence  }
0x2f: {  	s30 =	sld [smem:$0x0];
	_ =	sdelay $0x2  }
0x30: {  	s31 =	sshll.u32 s1, $0xD;
	s1 =	sshrl.u32 s1, $0x2  }
0x31: {  	s3 =	sand.u32 $0x4000, s31;
	s1 =	sadd.s32 s1, s30  }
0x32: {  	s0 =	sor.u32 s3, s0;
	s1 =	sshll.u32 s1, $0x11  }
0x33: {  	s0 =	sor.u32 s1, s0  }
0x34: {  	s0 =	sadd.s32 $0x8F2B, s0  }
0x35: {  	[sflag:s0] =	ssyncadd.remote.s32 $0x1  }
0x36: {  	_ =	sfence.sel $0xFFFF  }
0x37: {  	[dreg:$0x0] =	wrdreg $0xFFFFFFFF;
	(pc) =	sbr.abs _section_cstart, $3  }
0x38: {  	[dreg:$0x1] =	wrdreg $0xFFFFFFFF  }
0x39: {  	_ =	task.clear_ibuf [dreg:s7], $0x2FFFF;
	_ =	strace $0x9FFFFFFF  }
0x3a: {  	(tm) =	ssettm $0x7FFFFFFF  }
0x3b: {  	_ =	shalt  }
tec
execute0_lowered:
.L_overlay_start_1:
0x0: {  	(tag) =	ssettag $0x1  }
0x1: {  	s0 =	srdreg.scid  }
0x2: {  	s1 =	sshll.u32 s0, $0x4  }
0x3: {  	s0 =	stileid.u32;
	s1 =	sand.u32 $0x10, s1  }
0x4: {  	s1 =	sor.u32 s0, s1  }
0x5: {  	s6 =	rddreg [dreg:$0x0];
	s4 =	simm.s32 $0x1;
	s2 =	sshll.u32 s1, $0x7  }
0x6: {  	s7 =	simm.s32 $0x2;
	s12 =	simm.s32 $0x0;
	s1 =	ssub.s32 $0x1000, s2  }
0x7: {  	s8 =	simm.s32 $0x8000;
	s13 =	simm.s32 $0x0;
	s3 =	sand.u32 $0xF80, s1  }
0x8: {  	s9 =	simm.s32 $0x0;
	s5 =	sshrl.u32 s1, $0xC;
	p0 =	sne.s32 s3, $0x0  }
.Ltmp0:
0x9: {  	s1 =	rddreg [dreg:$0x2];
	s4 =	simm.s32 @!p0 $0x0;
	(pc) =	sbr.rel .LBB1_1-.Ltmp0, $4  }
0xa: {  	s11 =	simm.s32 $0x0;
	s3 =	rddreg [dreg:$0x1];
	s5 =	sadd.s32 s4, s5  }
0xb: {  	_ =	strace $0x8000004A;
	s4 =	simm.s32 $0x1;
	s5 =	smul.u32 $0xC8, s5  }
0xc: {  	s6 =	sadd.s32 $0xA00, s6;
	s10 =	smov.u32 s2;
	[sflag:s4] =	ssyncpa.u1 $0x0  }
0xd: {  	p0 =	por $0x0, $0x0;
	[sflag:s7] =	ssyncpa.u1 $0x0;
	s7 =	sor.u32 $0x1, s5  }
.LBB1_4:
0xe: {  	s16 =	sshll.u32 s13, $0x3;
	s17 =	sand.u32 $0x78, s13  }
0xf: {  	s30 =	sand.u32 $0x7E00, s13;
	s12 =	sshll.u32 s12, $0xF;
	s16 =	sand.u32 $0xC00, s16  }
0x10: {  	[tilespmem:s15+$0x810 ss:$0x81] =	vst.msk $0xffff, v2;
	s31 =	sand.u32 $0x7, s13;
	s16 =	sor.u32 s17, s16;
	s17 =	sadd.s32 s3, s30  }
0x11: {  	[tilespmem:s15+$0x1020 ss:$0x81] =	vst.msk $0xffff, v0;
	s13 =	sshll.u32 s31, $0x12;
	s12 =	sadd.s32 s12, s17;
	s16 =	sshrl.u32 s16, $0x3  }
0x12: {  	[tilespmem:s15+$0x0 ss:$0x81] =	vst.msk $0xffff, v1;
	s13 =	sor.u32 $0x400, s13;
	s12 =	sadd.s32 s16, s12  }
0x13: {  	[hbm4b:s12+s13] =	stream.strided.scatter [tilespmem:s14], [sflag:$0x2], $0x2000, s8, s13, $0x20;
	[tilespmem:$0x8080] =	vst v63  }
.LBB1_5:
0x14: {  	s14 =	sadd.s32 $0x1, s9  }
0x15: {  	s12 =	sadd.s32 $0x1000, s10;
	s16 =	smov.u32 s10;
	p2 =	sgt.s32 s14, $0xC7  }
0x16: {  	s16 =	smov.u32 @p2 s12  }
0x17: {  	s14 =	simm.s32 @p2 $0x0;
	p2 =	sgt.s32 s16, $0xFFF  }
0x18: {  	s16 =	smov.u32 @p2 s2;
	p2 =	sne.s32 s11, s7  }
.Ltmp1:
0x19: {  	p1 =	slt.u32 s11, $0x2;
	(pc) =	sbr.rel @!p2 .LBB1_6-.Ltmp1, $4  }
0x1a: {  	s15 =	simm.s32 @!p1 $0x2  }
0x1b: {  	s13 =	smov.u32 s10;
	p0 =	por !p0, !p0;
	_ =	swait.ge @!p1 [sflag:s15], $0x2000  }
0x1c: {  	s12 =	smov.u32 s9;
	[sflag:s15] =	ssyncset.done @!p1 $0x0;
	s9 =	smov.u32 s14  }
0x1d: {  	s11 =	sadd.s32 $0x1, s11;
	[sflag:s15] =	ssyncadd.s32 @!p1 $0xFFFFE000;
	s10 =	smov.u32 s16  }
.LBB1_1:
0x1e: {  	p1 =	sge.u32 s11, s5  }
0x1f: {  	s14 =	sand.u32 @!p1 $0x1FFFFFF, s9  }
0x20: {  	s15 =	smulhi.u32 @!p1 $0x147AE15, s14;
	_ =	sdelay $0x1  }
0x21: {  	s15 =	smul.u32 @!p1 $0xC8, s15  }
0x22: {  	s16 =	sxor.u32 @!p1 $0xFFFFFFFF, s11;
	s17 =	smul.u32 @!p1 $0xC80, s10  }
0x23: {  	s31 =	sadd.s32 $0xFFFFFFFF, s11;
	s16 =	sshll.u32 @!p1 s16, $0xD;
	s14 =	ssub.s32 @!p1 s14, s15  }
0x24: {  	s15 =	sand.u32 @!p1 $0x2000, s16;
	s16 =	sadd.s32 @!p1 s6, s17;
	s14 =	sshll.u32 @!p1 s14, $0x4  }
0x25: {  	s17 =	simm.s32 @!p1 $0x6400;
	s14 =	sadd.s32 @!p1 s14, s16;
	s16 =	simm.s32 @!p1 $0x40  }
0x26: {  	[tilespmem:s15], [sflag:$0x1] =	stream.strided.gather @!p1 [hbm4b:s14+s16], $0x2000, s17, s16, $0x38;
	[tilespmem:$0x8080] =	vst v63  }
0x27: {  	p1 =	sge.u32 s31, s5  }
.Ltmp2:
0x28: {  	_ = 	snop;
	(pc) =	sbr.rel @p1 .LBB1_5-.Ltmp2, $1  }
0x29: {  	_ =	sdelay $0x3  }
0x2a: {  	s14 =	simm.s32 $0x1  }
0x2b: {  	_ =	swait.ge [sflag:s4], $0x2000;
	s14 =	simm.s32 @!p0 $0x0  }
0x2c: {  	[sflag:s4] =	ssyncset.done $0x0;
	s15 =	sshll.u32 s14, $0xD  }
0x2d: {  	[sflag:s4] =	ssyncadd.s32 $0xFFFFE000;
	s18 =	sor.u32 $0x20, s15  }
0x2e: {  	s14 =	smul.u32 $0x8100, s14;
	v3 =	vld [tilespmem:s18+$0x10]  }
0x2f: {  	s30 =	sand.u32 $0x1, s11;
	v2 =	vld [tilespmem:s18+$0xFFFFFFF0]  }
0x30: {  	s15 =	smul.u32 $0x8100, s30;
	s14 =	sshrl.u32 s14, $0x2;
	v0 =	vld [tilespmem:s18+$0x0]  }
0x31: {  	v1 =	vld [tilespmem:s18+$0xFFFFFFE0];
	s16 =	sor.u32 $0x4000, s14  }
0x32: {  	s31 =	sshrl.u32 s15, $0x2;
	s15 =	sadd.s32 $0x0, s16  }
0x33: {  	s17 =	simm.s32 $0x4;
	s18 =	sadd.s32 $0x40, s18;
	s14 =	sor.u32 $0x4000, s31;
	[tilespmem:s15+$0x1830 ss:$0x81] =	vst.msk $0xffff, v3  }
.LBB1_3:
0x34: {  	v3 =	vld [tilespmem:s18+$0x10];
	p1 =	sne.s32 s17, $0x1FC;
	[tilespmem:s15+$0x810 ss:$0x81] =	vst.msk $0xffff, v2;
	s19 =	smov.u32 s17;
	s17 =	sadd.s32 $0x4, s17  }
.Ltmp3:
0x35: {  	v2 =	vld [tilespmem:s18+$0xFFFFFFF0];
	[tilespmem:s15+$0x1020 ss:$0x81] =	vst.msk $0xffff, v0;
	(pc) =	sbr.rel @p1 .LBB1_3-.Ltmp3, $4  }
0x36: {  	v0 =	vld [tilespmem:s18+$0x0];
	[tilespmem:s15+$0x0 ss:$0x81] =	vst.msk $0xffff, v1  }
0x37: {  	s15 =	sshra.s32 s19, $0x2;
	v1 =	vld [tilespmem:s18+$0xFFFFFFE0]  }
0x38: {  	s15 =	sadd.s32 s15, s16  }
0x39: {  	s18 =	sadd.s32 $0x40, s18;
	[tilespmem:s15+$0x1830 ss:$0x81] =	vst.msk $0xffff, v3  }
.Ltmp4:
0x3a: {  	_ = 	snop;
	(pc) =	sbr.rel .LBB1_4-.Ltmp4, $1  }
0x3b: {  	_ =	sdelay $0x3  }
.LBB1_6:
0x3c: {  	_ =	sfence.sel $0x180000  }
0x3d: {  	s2 =	simm.s32 $0x1;
	[bflag:$0x0] =	sbarrier.arrive $0xFFFF  }
0x3e: {  	s31 =	simm.s32 $0x2;
	[sflag:s2] =	ssyncpa.u1 $0x1  }
0x3f: {  	[sflag:s31] =	ssyncpa.u1 $0x1  }
0x40: {  	p0 =	sne.s32 s0, $0x0;
	_ =	strace $0x9000004A  }
0x41: {  	s0 =	sadd.s32 @!p0 $0x100000, s1;
	[bflag:$0x2] =	sbarrier.arrive $0xFFFF  }
0x42: {  	[sflag:s0] =	ssyncadd.tile.s32 @!p0 $0x1;
	_ =	shalt  }
.Lfunc_end1:
_tile_overlayer_lowered:
.L_overlay_start_2:
0x43: {  	(tag) =	ssettag $0x2  }
0x44: {  	s0 =	rddreg [dreg:$0x0];
	s2 =	stileid.u32  }
0x45: {  	s1 =	rddreg [dreg:$0x1];
	p0 =	sne.s32 s2, $0x0  }
0x46: {  	s3 =	rddreg [dreg:$0x2];
	[bflag:$0x3] =	sbarrier.arrive $0xFFFF;
	s2 =	simm.s32 @!p0 $0x1C01  }
0x47: {  	[timem:s3], [sflag:s2] =	dma.local @!p0 [hbm:s0], s1  }
0x48: {  	s0 =	simm.s32 @!p0 $0x1  }
0x49: {  	_ =	swait.ge @!p0 [sflag:s0], s1  }
0x4a: {  	s1 =	ssub.s32 @!p0 $0x0, s1;
	[sflag:s0] =	ssyncset.done @!p0 $0x0  }
0x4b: {  	[sflag:s0] =	ssyncadd.s32 @!p0 s1  }
0x4c: {  	[bflag:$0x3] =	sbarrier.arrive $0xFFFF  }
0x4d: {  	_ =	shalt  }

</sc_bundles>
